<compile_context>
chip_gen: v7x
topology: tpu7x:2x2x1
jax: 0.10.2.dev20260603
libtpu: 0.0.44.dev20260713+nightly
codegen_flags: <defaults>
</compile_context>

<pallas_src>
import functools

import jax
import jax.numpy as jnp
from jax import lax
from jax.experimental import pallas as pl
from jax.experimental.pallas import tpu as pltpu
from jax.experimental.pallas import tpu_sc as plsc

_NUM_CORES = 2
_CHUNK = 128
_NBUF = 6
_GDEPTH = 3


@jax.jit
def _selection_gather(x, idx):
    n_batches, _, d = x.shape
    k = idx.shape[1]
    n_chunks = k // _CHUNK
    mesh = plsc.VectorSubcoreMesh(core_axis_name="c", subcore_axis_name="s")

    @functools.partial(
        pl.kernel,
        out_type=jax.ShapeDtypeStruct((n_batches, k, d), jnp.float32),
        mesh=mesh,
        scratch_types=[
            pltpu.VMEM((k,), jnp.int32),
            pltpu.VMEM((_NBUF, _CHUNK, d), jnp.float32),
            [pltpu.SemaphoreType.DMA] * _NBUF,
            [pltpu.SemaphoreType.DMA] * _NBUF,
        ],
    )
    def run(x_hbm, idx_hbm, out_hbm, idx_v, rows_v, gsem, wsem):
        b = lax.axis_index("s") * _NUM_CORES + lax.axis_index("c")

        pltpu.sync_copy(idx_hbm.at[b], idx_v)

        def start_gather(c):
            h = pltpu.make_async_copy(
                x_hbm.at[b].at[idx_v.at[pl.ds(c * _CHUNK, _CHUNK)]],
                rows_v.at[c % _NBUF],
                gsem[c % _NBUF],
            )
            h.start()
            return h

        def start_write(c):
            h = pltpu.make_async_copy(
                rows_v.at[c % _NBUF],
                out_hbm.at[b, pl.ds(c * _CHUNK, _CHUNK)],
                wsem[c % _NBUF],
            )
            h.start()
            return h

        gathers, writes = {}, {}
        for c in range(n_chunks):
            if c >= _NBUF:
                writes[c - _NBUF].wait()
            gathers[c] = start_gather(c)
            if c >= _GDEPTH:
                cc = c - _GDEPTH
                gathers[cc].wait()
                writes[cc] = start_write(cc)
        for cc in range(n_chunks - _GDEPTH, n_chunks):
            gathers[cc].wait()
            writes[cc] = start_write(cc)
        for cc in range(n_chunks - _NBUF, n_chunks):
            writes[cc].wait()

    return run(x, idx)


def kernel(x, index):
    return _selection_gather(x, index.astype(jnp.int32))

# --- scband reference (transcript-rebuilt; emitter-appended) ---
"""Pipeline reference for scband-selection-11407433138865 (READ-ONLY COPY).

The authoritative reference and input builder live on the scoring server;
editing this copy changes nothing except your own understanding.
"""

import jax, jax.numpy as jnp
import numpy as np


def align_to(index, x):
    """Add trailing singleton dims to `index` and broadcast them to x's trailing dims,
    mirroring the torch align_to helper used before torch.gather."""
    extra = x.ndim - index.ndim
    idx = index.reshape(index.shape + (1,) * extra)
    tgt = index.shape + x.shape[index.ndim:]
    return jnp.broadcast_to(idx, tgt)


def setup_inputs(seed: int = 0) -> dict:
    key = jax.random.key(seed)
    kx, ki = jax.random.split(key)
    B, N, D, K = 32, 8192, 128, 2048
    x = jax.random.normal(kx, (B, N, D), dtype=jnp.float32)
    index = jax.random.randint(ki, (B, K), 0, N, dtype=jnp.int64 if jax.config.jax_enable_x64 else jnp.int32)
    return {"x": x, "index": index}


def reference(x, index):
    # Selection.forward: index = align_to(self.index, x); return x.gather(self.dim, index)
    dim = 1
    aligned = align_to(index, x)
    return jnp.take_along_axis(x, aligned, axis=dim)

if __name__ == "__main__":
    import jax
    _d = setup_inputs()
    print(jax.jit(kernel)(*tuple(_d.values())))

</pallas_src>

<mosaic_0001>
#map = affine_map<(d0, d1) -> (0, 0, 0)>
#map1 = affine_map<(d0, d1) -> (0, 0)>
module attributes {stable_mosaic.version = 14 : i64} {
  func.func @run(%arg0: i32, %arg1: i32, %arg2: memref<32x8192x128xf32, #tpu.memory_space<hbm>>, %arg3: memref<32x2048xi32, #tpu.memory_space<hbm>>, %arg4: memref<32x2048x128xf32, #tpu.memory_space<hbm>>, %arg5: memref<2048xi32, #tpu.memory_space<vmem>>, %arg6: memref<6x128x128xf32, #tpu.memory_space<vmem>>, %arg7: memref<!tpu.dma_semaphore, #tpu.memory_space<semaphore_mem>>, %arg8: memref<!tpu.dma_semaphore, #tpu.memory_space<semaphore_mem>>, %arg9: memref<!tpu.dma_semaphore, #tpu.memory_space<semaphore_mem>>, %arg10: memref<!tpu.dma_semaphore, #tpu.memory_space<semaphore_mem>>, %arg11: memref<!tpu.dma_semaphore, #tpu.memory_space<semaphore_mem>>, %arg12: memref<!tpu.dma_semaphore, #tpu.memory_space<semaphore_mem>>, %arg13: memref<!tpu.dma_semaphore, #tpu.memory_space<semaphore_mem>>, %arg14: memref<!tpu.dma_semaphore, #tpu.memory_space<semaphore_mem>>, %arg15: memref<!tpu.dma_semaphore, #tpu.memory_space<semaphore_mem>>, %arg16: memref<!tpu.dma_semaphore, #tpu.memory_space<semaphore_mem>>, %arg17: memref<!tpu.dma_semaphore, #tpu.memory_space<semaphore_mem>>, %arg18: memref<!tpu.dma_semaphore, #tpu.memory_space<semaphore_mem>>) attributes {dimension_semantics = [#tpu.dimension_semantics<core_parallel>, #tpu.dimension_semantics<subcore_parallel>], iteration_bounds = array<i64: 2, 16>, scalar_prefetch = 0 : i64, scratch_operands = 14 : i64, tpu.core_type = #tpu.core_type<sc_vector_subcore>, window_params = [{transform_indices = #map}, {transform_indices = #map1}, {transform_indices = #map}]} {
    %mul3A = arith.constant 2 : i32
    %mul3A_0 = arith.muli %arg1, %mul3A : i32
    %add3A = arith.addi %mul3A_0, %arg0 : i32
    "tpu.region"() ({
      %run_scoped3A = tpu.sem_alloc : memref<!tpu.dma_semaphore, #tpu.memory_space<semaphore_mem>>
      %dma_start3A_991 = arith.constant 0 : i32
      %dma_start3A_992 = tpu.memref_slice %arg3[%add3A, %dma_start3A_991] : memref<32x2048xi32, #tpu.memory_space<hbm>> -> memref<1x2048xi32, #tpu.memory_space<hbm>>
      %dma_start3A_993 = tpu.memref_squeeze %dma_start3A_992 : memref<1x2048xi32, #tpu.memory_space<hbm>> -> memref<2048xi32, #tpu.memory_space<hbm>>
      %dma_start3A_994 = arith.constant 0 : i32
      %dma_start3A_995 = tpu.memref_slice %arg3[%add3A, %dma_start3A_994] : memref<32x2048xi32, #tpu.memory_space<hbm>> -> memref<1x2048xi32, #tpu.memory_space<hbm>>
      %dma_start3A_996 = tpu.memref_squeeze %dma_start3A_995 : memref<1x2048xi32, #tpu.memory_space<hbm>> -> memref<2048xi32, #tpu.memory_space<hbm>>
      tpu.enqueue_dma source(%dma_start3A_996 : memref<2048xi32, #tpu.memory_space<hbm>>) target(%arg5 : memref<2048xi32, #tpu.memory_space<vmem>>) target_semaphore(%run_scoped3A : memref<!tpu.dma_semaphore, #tpu.memory_space<semaphore_mem>>)
      %dma_wait3A_997 = arith.constant 0 : i32
      %dma_wait3A_998 = tpu.memref_slice %arg3[%add3A, %dma_wait3A_997] : memref<32x2048xi32, #tpu.memory_space<hbm>> -> memref<1x2048xi32, #tpu.memory_space<hbm>>
      %dma_wait3A_999 = tpu.memref_squeeze %dma_wait3A_998 : memref<1x2048xi32, #tpu.memory_space<hbm>> -> memref<2048xi32, #tpu.memory_space<hbm>>
      %dma_wait3A_1000 = arith.constant 0 : i32
      %dma_wait3A_1001 = tpu.memref_slice %arg3[%add3A, %dma_wait3A_1000] : memref<32x2048xi32, #tpu.memory_space<hbm>> -> memref<1x2048xi32, #tpu.memory_space<hbm>>
      %dma_wait3A_1002 = tpu.memref_squeeze %dma_wait3A_1001 : memref<1x2048xi32, #tpu.memory_space<hbm>> -> memref<2048xi32, #tpu.memory_space<hbm>>
      tpu.wait_dma2 semaphore(%run_scoped3A : memref<!tpu.dma_semaphore, #tpu.memory_space<semaphore_mem>>) src(%dma_wait3A_1002 : memref<2048xi32, #tpu.memory_space<hbm>>) dst(%arg5 : memref<2048xi32, #tpu.memory_space<vmem>>)
      tpu.yield
    }) : () -> ()
    %dma_start3A = arith.constant 0 : i32
    %dma_start3A_1 = arith.constant 0 : i32
    %dma_start3A_2 = arith.constant 0 : i32
    %dma_start3A_3 = tpu.memref_slice %arg6[%dma_start3A, %dma_start3A_1, %dma_start3A_2] : memref<6x128x128xf32, #tpu.memory_space<vmem>> -> memref<1x128x128xf32, #tpu.memory_space<vmem>>
    %dma_start3A_4 = tpu.memref_squeeze %dma_start3A_3 : memref<1x128x128xf32, #tpu.memory_space<vmem>> -> memref<128x128xf32, #tpu.memory_space<vmem>>
    %dma_start3A_5 = arith.constant 0 : i32
    %dma_start3A_6 = tpu.memref_slice %arg5[%dma_start3A_5] : memref<2048xi32, #tpu.memory_space<vmem>> -> memref<128xi32, #tpu.memory_space<vmem>>
    %dma_start3A_7 = arith.constant 0 : i32
    %dma_start3A_8 = arith.constant 0 : i32
    %dma_start3A_9 = tpu.memref_slice %arg2[%add3A, %dma_start3A_7, %dma_start3A_8] : memref<32x8192x128xf32, #tpu.memory_space<hbm>> -> memref<1x8192x128xf32, #tpu.memory_space<hbm>>
    %dma_start3A_10 = tpu.memref_squeeze %dma_start3A_9 : memref<1x8192x128xf32, #tpu.memory_space<hbm>> -> memref<8192x128xf32, #tpu.memory_space<hbm>>
    %dma_start3A_11 = arith.constant 0 : i32
    %dma_start3A_12 = arith.constant 0 : i32
    %dma_start3A_13 = tpu.memref_slice %dma_start3A_10[%dma_start3A_11, %dma_start3A_12] : memref<8192x128xf32, #tpu.memory_space<hbm>> -> memref<8192x128xf32, #tpu.memory_space<hbm>>
    tpu.enqueue_indirect_dma source(%dma_start3A_13 : memref<8192x128xf32, #tpu.memory_space<hbm>>) target(%dma_start3A_4 : memref<128x128xf32, #tpu.memory_space<vmem>>) offsets(%dma_start3A_6 : memref<128xi32, #tpu.memory_space<vmem>>) semaphore(%arg7 : memref<!tpu.dma_semaphore, #tpu.memory_space<semaphore_mem>>)
    %dma_start3A_14 = arith.constant 1 : i32
    %dma_start3A_15 = arith.constant 0 : i32
    %dma_start3A_16 = arith.constant 0 : i32
    %dma_start3A_17 = tpu.memref_slice %arg6[%dma_start3A_14, %dma_start3A_15, %dma_start3A_16] : memref<6x128x128xf32, #tpu.memory_space<vmem>> -> memref<1x128x128xf32, #tpu.memory_space<vmem>>
    %dma_start3A_18 = tpu.memref_squeeze %dma_start3A_17 : memref<1x128x128xf32, #tpu.memory_space<vmem>> -> memref<128x128xf32, #tpu.memory_space<vmem>>
    %dma_start3A_19 = arith.constant 128 : i32
    %dma_start3A_20 = tpu.memref_slice %arg5[%dma_start3A_19] : memref<2048xi32, #tpu.memory_space<vmem>> -> memref<128xi32, #tpu.memory_space<vmem>>
    %dma_start3A_21 = arith.constant 0 : i32
    %dma_start3A_22 = arith.constant 0 : i32
    %dma_start3A_23 = tpu.memref_slice %arg2[%add3A, %dma_start3A_21, %dma_start3A_22] : memref<32x8192x128xf32, #tpu.memory_space<hbm>> -> memref<1x8192x128xf32, #tpu.memory_space<hbm>>
    %dma_start3A_24 = tpu.memref_squeeze %dma_start3A_23 : memref<1x8192x128xf32, #tpu.memory_space<hbm>> -> memref<8192x128xf32, #tpu.memory_space<hbm>>
    %dma_start3A_25 = arith.constant 0 : i32
    %dma_start3A_26 = arith.constant 0 : i32
    %dma_start3A_27 = tpu.memref_slice %dma_start3A_24[%dma_start3A_25, %dma_start3A_26] : memref<8192x128xf32, #tpu.memory_space<hbm>> -> memref<8192x128xf32, #tpu.memory_space<hbm>>
    tpu.enqueue_indirect_dma source(%dma_start3A_27 : memref<8192x128xf32, #tpu.memory_space<hbm>>) target(%dma_start3A_18 : memref<128x128xf32, #tpu.memory_space<vmem>>) offsets(%dma_start3A_20 : memref<128xi32, #tpu.memory_space<vmem>>) semaphore(%arg8 : memref<!tpu.dma_semaphore, #tpu.memory_space<semaphore_mem>>)
    %dma_start3A_28 = arith.constant 2 : i32
    %dma_start3A_29 = arith.constant 0 : i32
    %dma_start3A_30 = arith.constant 0 : i32
    %dma_start3A_31 = tpu.memref_slice %arg6[%dma_start3A_28, %dma_start3A_29, %dma_start3A_30] : memref<6x128x128xf32, #tpu.memory_space<vmem>> -> memref<1x128x128xf32, #tpu.memory_space<vmem>>
    %dma_start3A_32 = tpu.memref_squeeze %dma_start3A_31 : memref<1x128x128xf32, #tpu.memory_space<vmem>> -> memref<128x128xf32, #tpu.memory_space<vmem>>
    %dma_start3A_33 = arith.constant 256 : i32
    %dma_start3A_34 = tpu.memref_slice %arg5[%dma_start3A_33] : memref<2048xi32, #tpu.memory_space<vmem>> -> memref<128xi32, #tpu.memory_space<vmem>>
    %dma_start3A_35 = arith.constant 0 : i32
    %dma_start3A_36 = arith.constant 0 : i32
    %dma_start3A_37 = tpu.memref_slice %arg2[%add3A, %dma_start3A_35, %dma_start3A_36] : memref<32x8192x128xf32, #tpu.memory_space<hbm>> -> memref<1x8192x128xf32, #tpu.memory_space<hbm>>
    %dma_start3A_38 = tpu.memref_squeeze %dma_start3A_37 : memref<1x8192x128xf32, #tpu.memory_space<hbm>> -> memref<8192x128xf32, #tpu.memory_space<hbm>>
    %dma_start3A_39 = arith.constant 0 : i32
    %dma_start3A_40 = arith.constant 0 : i32
    %dma_start3A_41 = tpu.memref_slice %dma_start3A_38[%dma_start3A_39, %dma_start3A_40] : memref<8192x128xf32, #tpu.memory_space<hbm>> -> memref<8192x128xf32, #tpu.memory_space<hbm>>
    tpu.enqueue_indirect_dma source(%dma_start3A_41 : memref<8192x128xf32, #tpu.memory_space<hbm>>) target(%dma_start3A_32 : memref<128x128xf32, #tpu.memory_space<vmem>>) offsets(%dma_start3A_34 : memref<128xi32, #tpu.memory_space<vmem>>) semaphore(%arg9 : memref<!tpu.dma_semaphore, #tpu.memory_space<semaphore_mem>>)
    %dma_start3A_42 = arith.constant 3 : i32
    %dma_start3A_43 = arith.constant 0 : i32
    %dma_start3A_44 = arith.constant 0 : i32
    %dma_start3A_45 = tpu.memref_slice %arg6[%dma_start3A_42, %dma_start3A_43, %dma_start3A_44] : memref<6x128x128xf32, #tpu.memory_space<vmem>> -> memref<1x128x128xf32, #tpu.memory_space<vmem>>
    %dma_start3A_46 = tpu.memref_squeeze %dma_start3A_45 : memref<1x128x128xf32, #tpu.memory_space<vmem>> -> memref<128x128xf32, #tpu.memory_space<vmem>>
    %dma_start3A_47 = arith.constant 384 : i32
    %dma_start3A_48 = tpu.memref_slice %arg5[%dma_start3A_47] : memref<2048xi32, #tpu.memory_space<vmem>> -> memref<128xi32, #tpu.memory_space<vmem>>
    %dma_start3A_49 = arith.constant 0 : i32
    %dma_start3A_50 = arith.constant 0 : i32
    %dma_start3A_51 = tpu.memref_slice %arg2[%add3A, %dma_start3A_49, %dma_start3A_50] : memref<32x8192x128xf32, #tpu.memory_space<hbm>> -> memref<1x8192x128xf32, #tpu.memory_space<hbm>>
    %dma_start3A_52 = tpu.memref_squeeze %dma_start3A_51 : memref<1x8192x128xf32, #tpu.memory_space<hbm>> -> memref<8192x128xf32, #tpu.memory_space<hbm>>
    %dma_start3A_53 = arith.constant 0 : i32
    %dma_start3A_54 = arith.constant 0 : i32
    %dma_start3A_55 = tpu.memref_slice %dma_start3A_52[%dma_start3A_53, %dma_start3A_54] : memref<8192x128xf32, #tpu.memory_space<hbm>> -> memref<8192x128xf32, #tpu.memory_space<hbm>>
    tpu.enqueue_indirect_dma source(%dma_start3A_55 : memref<8192x128xf32, #tpu.memory_space<hbm>>) target(%dma_start3A_46 : memref<128x128xf32, #tpu.memory_space<vmem>>) offsets(%dma_start3A_48 : memref<128xi32, #tpu.memory_space<vmem>>) semaphore(%arg10 : memref<!tpu.dma_semaphore, #tpu.memory_space<semaphore_mem>>)
    %dma_wait3A = arith.constant 0 : i32
    %dma_wait3A_56 = arith.constant 0 : i32
    %dma_wait3A_57 = arith.constant 0 : i32
    %dma_wait3A_58 = tpu.memref_slice %arg6[%dma_wait3A, %dma_wait3A_56, %dma_wait3A_57] : memref<6x128x128xf32, #tpu.memory_space<vmem>> -> memref<1x128x128xf32, #tpu.memory_space<vmem>>
    %dma_wait3A_59 = tpu.memref_squeeze %dma_wait3A_58 : memref<1x128x128xf32, #tpu.memory_space<vmem>> -> memref<128x128xf32, #tpu.memory_space<vmem>>
    %dma_wait3A_60 = arith.constant 0 : i32
    %dma_wait3A_61 = tpu.memref_slice %arg5[%dma_wait3A_60] : memref<2048xi32, #tpu.memory_space<vmem>> -> memref<128xi32, #tpu.memory_space<vmem>>
    %dma_wait3A_62 = arith.constant 0 : i32
    %dma_wait3A_63 = arith.constant 0 : i32
    %dma_wait3A_64 = tpu.memref_slice %arg2[%add3A, %dma_wait3A_62, %dma_wait3A_63] : memref<32x8192x128xf32, #tpu.memory_space<hbm>> -> memref<1x8192x128xf32, #tpu.memory_space<hbm>>
    %dma_wait3A_65 = tpu.memref_squeeze %dma_wait3A_64 : memref<1x8192x128xf32, #tpu.memory_space<hbm>> -> memref<8192x128xf32, #tpu.memory_space<hbm>>
    %dma_wait3A_66 = arith.constant 0 : i32
    %dma_wait3A_67 = arith.constant 0 : i32
    %dma_wait3A_68 = tpu.memref_slice %dma_wait3A_65[%dma_wait3A_66, %dma_wait3A_67] : memref<8192x128xf32, #tpu.memory_space<hbm>> -> memref<8192x128xf32, #tpu.memory_space<hbm>>
    tpu.wait_indirect_dma semaphore(%arg7 : memref<!tpu.dma_semaphore, #tpu.memory_space<semaphore_mem>>) src(%dma_wait3A_68 : memref<8192x128xf32, #tpu.memory_space<hbm>>) dst(%dma_wait3A_59 : memref<128x128xf32, #tpu.memory_space<vmem>>)
    %dma_start3A_69 = arith.constant 0 : i32
    %dma_start3A_70 = arith.constant 0 : i32
    %dma_start3A_71 = arith.constant 0 : i32
    %dma_start3A_72 = tpu.memref_slice %arg6[%dma_start3A_69, %dma_start3A_70, %dma_start3A_71] : memref<6x128x128xf32, #tpu.memory_space<vmem>> -> memref<1x128x128xf32, #tpu.memory_space<vmem>>
    %dma_start3A_73 = tpu.memref_squeeze %dma_start3A_72 : memref<1x128x128xf32, #tpu.memory_space<vmem>> -> memref<128x128xf32, #tpu.memory_space<vmem>>
    %dma_start3A_74 = arith.constant 0 : i32
    %dma_start3A_75 = arith.constant 0 : i32
    %dma_start3A_76 = tpu.memref_slice %arg4[%add3A, %dma_start3A_74, %dma_start3A_75] : memref<32x2048x128xf32, #tpu.memory_space<hbm>> -> memref<1x128x128xf32, #tpu.memory_space<hbm>>
    %dma_start3A_77 = tpu.memref_squeeze %dma_start3A_76 : memref<1x128x128xf32, #tpu.memory_space<hbm>> -> memref<128x128xf32, #tpu.memory_space<hbm>>
    %dma_start3A_78 = arith.constant 0 : i32
    %dma_start3A_79 = arith.constant 0 : i32
    %dma_start3A_80 = tpu.memref_slice %arg4[%add3A, %dma_start3A_78, %dma_start3A_79] : memref<32x2048x128xf32, #tpu.memory_space<hbm>> -> memref<1x128x128xf32, #tpu.memory_space<hbm>>
    %dma_start3A_81 = tpu.memref_squeeze %dma_start3A_80 : memref<1x128x128xf32, #tpu.memory_space<hbm>> -> memref<128x128xf32, #tpu.memory_space<hbm>>
    %dma_start3A_82 = arith.constant 0 : i32
    %dma_start3A_83 = arith.constant 0 : i32
    %dma_start3A_84 = tpu.memref_slice %arg6[%dma_start3A_69, %dma_start3A_82, %dma_start3A_83] : memref<6x128x128xf32, #tpu.memory_space<vmem>> -> memref<1x128x128xf32, #tpu.memory_space<vmem>>
    %dma_start3A_85 = tpu.memref_squeeze %dma_start3A_84 : memref<1x128x128xf32, #tpu.memory_space<vmem>> -> memref<128x128xf32, #tpu.memory_space<vmem>>
    tpu.enqueue_dma source(%dma_start3A_85 : memref<128x128xf32, #tpu.memory_space<vmem>>) target(%dma_start3A_81 : memref<128x128xf32, #tpu.memory_space<hbm>>) target_semaphore(%arg13 : memref<!tpu.dma_semaphore, #tpu.memory_space<semaphore_mem>>)
    %dma_start3A_86 = arith.constant 4 : i32
    %dma_start3A_87 = arith.constant 0 : i32
    %dma_start3A_88 = arith.constant 0 : i32
    %dma_start3A_89 = tpu.memref_slice %arg6[%dma_start3A_86, %dma_start3A_87, %dma_start3A_88] : memref<6x128x128xf32, #tpu.memory_space<vmem>> -> memref<1x128x128xf32, #tpu.memory_space<vmem>>
    %dma_start3A_90 = tpu.memref_squeeze %dma_start3A_89 : memref<1x128x128xf32, #tpu.memory_space<vmem>> -> memref<128x128xf32, #tpu.memory_space<vmem>>
    %dma_start3A_91 = arith.constant 512 : i32
    %dma_start3A_92 = tpu.memref_slice %arg5[%dma_start3A_91] : memref<2048xi32, #tpu.memory_space<vmem>> -> memref<128xi32, #tpu.memory_space<vmem>>
    %dma_start3A_93 = arith.constant 0 : i32
    %dma_start3A_94 = arith.constant 0 : i32
    %dma_start3A_95 = tpu.memref_slice %arg2[%add3A, %dma_start3A_93, %dma_start3A_94] : memref<32x8192x128xf32, #tpu.memory_space<hbm>> -> memref<1x8192x128xf32, #tpu.memory_space<hbm>>
    %dma_start3A_96 = tpu.memref_squeeze %dma_start3A_95 : memref<1x8192x128xf32, #tpu.memory_space<hbm>> -> memref<8192x128xf32, #tpu.memory_space<hbm>>
    %dma_start3A_97 = arith.constant 0 : i32
    %dma_start3A_98 = arith.constant 0 : i32
    %dma_start3A_99 = tpu.memref_slice %dma_start3A_96[%dma_start3A_97, %dma_start3A_98] : memref<8192x128xf32, #tpu.memory_space<hbm>> -> memref<8192x128xf32, #tpu.memory_space<hbm>>
    tpu.enqueue_indirect_dma source(%dma_start3A_99 : memref<8192x128xf32, #tpu.memory_space<hbm>>) target(%dma_start3A_90 : memref<128x128xf32, #tpu.memory_space<vmem>>) offsets(%dma_start3A_92 : memref<128xi32, #tpu.memory_space<vmem>>) semaphore(%arg11 : memref<!tpu.dma_semaphore, #tpu.memory_space<semaphore_mem>>)
    %dma_wait3A_100 = arith.constant 1 : i32
    %dma_wait3A_101 = arith.constant 0 : i32
    %dma_wait3A_102 = arith.constant 0 : i32
    %dma_wait3A_103 = tpu.memref_slice %arg6[%dma_wait3A_100, %dma_wait3A_101, %dma_wait3A_102] : memref<6x128x128xf32, #tpu.memory_space<vmem>> -> memref<1x128x128xf32, #tpu.memory_space<vmem>>
    %dma_wait3A_104 = tpu.memref_squeeze %dma_wait3A_103 : memref<1x128x128xf32, #tpu.memory_space<vmem>> -> memref<128x128xf32, #tpu.memory_space<vmem>>
    %dma_wait3A_105 = arith.constant 128 : i32
    %dma_wait3A_106 = tpu.memref_slice %arg5[%dma_wait3A_105] : memref<2048xi32, #tpu.memory_space<vmem>> -> memref<128xi32, #tpu.memory_space<vmem>>
    %dma_wait3A_107 = arith.constant 0 : i32
    %dma_wait3A_108 = arith.constant 0 : i32
    %dma_wait3A_109 = tpu.memref_slice %arg2[%add3A, %dma_wait3A_107, %dma_wait3A_108] : memref<32x8192x128xf32, #tpu.memory_space<hbm>> -> memref<1x8192x128xf32, #tpu.memory_space<hbm>>
    %dma_wait3A_110 = tpu.memref_squeeze %dma_wait3A_109 : memref<1x8192x128xf32, #tpu.memory_space<hbm>> -> memref<8192x128xf32, #tpu.memory_space<hbm>>
    %dma_wait3A_111 = arith.constant 0 : i32
    %dma_wait3A_112 = arith.constant 0 : i32
    %dma_wait3A_113 = tpu.memref_slice %dma_wait3A_110[%dma_wait3A_111, %dma_wait3A_112] : memref<8192x128xf32, #tpu.memory_space<hbm>> -> memref<8192x128xf32, #tpu.memory_space<hbm>>
    tpu.wait_indirect_dma semaphore(%arg8 : memref<!tpu.dma_semaphore, #tpu.memory_space<semaphore_mem>>) src(%dma_wait3A_113 : memref<8192x128xf32, #tpu.memory_space<hbm>>) dst(%dma_wait3A_104 : memref<128x128xf32, #tpu.memory_space<vmem>>)
    %dma_start3A_114 = arith.constant 1 : i32
    %dma_start3A_115 = arith.constant 0 : i32
    %dma_start3A_116 = arith.constant 0 : i32
    %dma_start3A_117 = tpu.memref_slice %arg6[%dma_start3A_114, %dma_start3A_115, %dma_start3A_116] : memref<6x128x128xf32, #tpu.memory_space<vmem>> -> memref<1x128x128xf32, #tpu.memory_space<vmem>>
    %dma_start3A_118 = tpu.memref_squeeze %dma_start3A_117 : memref<1x128x128xf32, #tpu.memory_space<vmem>> -> memref<128x128xf32, #tpu.memory_space<vmem>>
    %dma_start3A_119 = arith.constant 128 : i32
    %dma_start3A_120 = arith.constant 0 : i32
    %dma_start3A_121 = tpu.memref_slice %arg4[%add3A, %dma_start3A_119, %dma_start3A_120] : memref<32x2048x128xf32, #tpu.memory_space<hbm>> -> memref<1x128x128xf32, #tpu.memory_space<hbm>>
    %dma_start3A_122 = tpu.memref_squeeze %dma_start3A_121 : memref<1x128x128xf32, #tpu.memory_space<hbm>> -> memref<128x128xf32, #tpu.memory_space<hbm>>
    %dma_start3A_123 = arith.constant 128 : i32
    %dma_start3A_124 = arith.constant 0 : i32
    %dma_start3A_125 = tpu.memref_slice %arg4[%add3A, %dma_start3A_123, %dma_start3A_124] : memref<32x2048x128xf32, #tpu.memory_space<hbm>> -> memref<1x128x128xf32, #tpu.memory_space<hbm>>
    %dma_start3A_126 = tpu.memref_squeeze %dma_start3A_125 : memref<1x128x128xf32, #tpu.memory_space<hbm>> -> memref<128x128xf32, #tpu.memory_space<hbm>>
    %dma_start3A_127 = arith.constant 0 : i32
    %dma_start3A_128 = arith.constant 0 : i32
    %dma_start3A_129 = tpu.memref_slice %arg6[%dma_start3A_114, %dma_start3A_127, %dma_start3A_128] : memref<6x128x128xf32, #tpu.memory_space<vmem>> -> memref<1x128x128xf32, #tpu.memory_space<vmem>>
    %dma_start3A_130 = tpu.memref_squeeze %dma_start3A_129 : memref<1x128x128xf32, #tpu.memory_space<vmem>> -> memref<128x128xf32, #tpu.memory_space<vmem>>
    tpu.enqueue_dma source(%dma_start3A_130 : memref<128x128xf32, #tpu.memory_space<vmem>>) target(%dma_start3A_126 : memref<128x128xf32, #tpu.memory_space<hbm>>) target_semaphore(%arg14 : memref<!tpu.dma_semaphore, #tpu.memory_space<semaphore_mem>>)
    %dma_start3A_131 = arith.constant 5 : i32
    %dma_start3A_132 = arith.constant 0 : i32
    %dma_start3A_133 = arith.constant 0 : i32
    %dma_start3A_134 = tpu.memref_slice %arg6[%dma_start3A_131, %dma_start3A_132, %dma_start3A_133] : memref<6x128x128xf32, #tpu.memory_space<vmem>> -> memref<1x128x128xf32, #tpu.memory_space<vmem>>
    %dma_start3A_135 = tpu.memref_squeeze %dma_start3A_134 : memref<1x128x128xf32, #tpu.memory_space<vmem>> -> memref<128x128xf32, #tpu.memory_space<vmem>>
    %dma_start3A_136 = arith.constant 640 : i32
    %dma_start3A_137 = tpu.memref_slice %arg5[%dma_start3A_136] : memref<2048xi32, #tpu.memory_space<vmem>> -> memref<128xi32, #tpu.memory_space<vmem>>
    %dma_start3A_138 = arith.constant 0 : i32
    %dma_start3A_139 = arith.constant 0 : i32
    %dma_start3A_140 = tpu.memref_slice %arg2[%add3A, %dma_start3A_138, %dma_start3A_139] : memref<32x8192x128xf32, #tpu.memory_space<hbm>> -> memref<1x8192x128xf32, #tpu.memory_space<hbm>>
    %dma_start3A_141 = tpu.memref_squeeze %dma_start3A_140 : memref<1x8192x128xf32, #tpu.memory_space<hbm>> -> memref<8192x128xf32, #tpu.memory_space<hbm>>
    %dma_start3A_142 = arith.constant 0 : i32
    %dma_start3A_143 = arith.constant 0 : i32
    %dma_start3A_144 = tpu.memref_slice %dma_start3A_141[%dma_start3A_142, %dma_start3A_143] : memref<8192x128xf32, #tpu.memory_space<hbm>> -> memref<8192x128xf32, #tpu.memory_space<hbm>>
    tpu.enqueue_indirect_dma source(%dma_start3A_144 : memref<8192x128xf32, #tpu.memory_space<hbm>>) target(%dma_start3A_135 : memref<128x128xf32, #tpu.memory_space<vmem>>) offsets(%dma_start3A_137 : memref<128xi32, #tpu.memory_space<vmem>>) semaphore(%arg12 : memref<!tpu.dma_semaphore, #tpu.memory_space<semaphore_mem>>)
    %dma_wait3A_145 = arith.constant 2 : i32
    %dma_wait3A_146 = arith.constant 0 : i32
    %dma_wait3A_147 = arith.constant 0 : i32
    %dma_wait3A_148 = tpu.memref_slice %arg6[%dma_wait3A_145, %dma_wait3A_146, %dma_wait3A_147] : memref<6x128x128xf32, #tpu.memory_space<vmem>> -> memref<1x128x128xf32, #tpu.memory_space<vmem>>
    %dma_wait3A_149 = tpu.memref_squeeze %dma_wait3A_148 : memref<1x128x128xf32, #tpu.memory_space<vmem>> -> memref<128x128xf32, #tpu.memory_space<vmem>>
    %dma_wait3A_150 = arith.constant 256 : i32
    %dma_wait3A_151 = tpu.memref_slice %arg5[%dma_wait3A_150] : memref<2048xi32, #tpu.memory_space<vmem>> -> memref<128xi32, #tpu.memory_space<vmem>>
    %dma_wait3A_152 = arith.constant 0 : i32
    %dma_wait3A_153 = arith.constant 0 : i32
    %dma_wait3A_154 = tpu.memref_slice %arg2[%add3A, %dma_wait3A_152, %dma_wait3A_153] : memref<32x8192x128xf32, #tpu.memory_space<hbm>> -> memref<1x8192x128xf32, #tpu.memory_space<hbm>>
    %dma_wait3A_155 = tpu.memref_squeeze %dma_wait3A_154 : memref<1x8192x128xf32, #tpu.memory_space<hbm>> -> memref<8192x128xf32, #tpu.memory_space<hbm>>
    %dma_wait3A_156 = arith.constant 0 : i32
    %dma_wait3A_157 = arith.constant 0 : i32
    %dma_wait3A_158 = tpu.memref_slice %dma_wait3A_155[%dma_wait3A_156, %dma_wait3A_157] : memref<8192x128xf32, #tpu.memory_space<hbm>> -> memref<8192x128xf32, #tpu.memory_space<hbm>>
    tpu.wait_indirect_dma semaphore(%arg9 : memref<!tpu.dma_semaphore, #tpu.memory_space<semaphore_mem>>) src(%dma_wait3A_158 : memref<8192x128xf32, #tpu.memory_space<hbm>>) dst(%dma_wait3A_149 : memref<128x128xf32, #tpu.memory_space<vmem>>)
    %dma_start3A_159 = arith.constant 2 : i32
    %dma_start3A_160 = arith.constant 0 : i32
    %dma_start3A_161 = arith.constant 0 : i32
    %dma_start3A_162 = tpu.memref_slice %arg6[%dma_start3A_159, %dma_start3A_160, %dma_start3A_161] : memref<6x128x128xf32, #tpu.memory_space<vmem>> -> memref<1x128x128xf32, #tpu.memory_space<vmem>>
    %dma_start3A_163 = tpu.memref_squeeze %dma_start3A_162 : memref<1x128x128xf32, #tpu.memory_space<vmem>> -> memref<128x128xf32, #tpu.memory_space<vmem>>
    %dma_start3A_164 = arith.constant 256 : i32
    %dma_start3A_165 = arith.constant 0 : i32
    %dma_start3A_166 = tpu.memref_slice %arg4[%add3A, %dma_start3A_164, %dma_start3A_165] : memref<32x2048x128xf32, #tpu.memory_space<hbm>> -> memref<1x128x128xf32, #tpu.memory_space<hbm>>
    %dma_start3A_167 = tpu.memref_squeeze %dma_start3A_166 : memref<1x128x128xf32, #tpu.memory_space<hbm>> -> memref<128x128xf32, #tpu.memory_space<hbm>>
    %dma_start3A_168 = arith.constant 256 : i32
    %dma_start3A_169 = arith.constant 0 : i32
    %dma_start3A_170 = tpu.memref_slice %arg4[%add3A, %dma_start3A_168, %dma_start3A_169] : memref<32x2048x128xf32, #tpu.memory_space<hbm>> -> memref<1x128x128xf32, #tpu.memory_space<hbm>>
    %dma_start3A_171 = tpu.memref_squeeze %dma_start3A_170 : memref<1x128x128xf32, #tpu.memory_space<hbm>> -> memref<128x128xf32, #tpu.memory_space<hbm>>
    %dma_start3A_172 = arith.constant 0 : i32
    %dma_start3A_173 = arith.constant 0 : i32
    %dma_start3A_174 = tpu.memref_slice %arg6[%dma_start3A_159, %dma_start3A_172, %dma_start3A_173] : memref<6x128x128xf32, #tpu.memory_space<vmem>> -> memref<1x128x128xf32, #tpu.memory_space<vmem>>
    %dma_start3A_175 = tpu.memref_squeeze %dma_start3A_174 : memref<1x128x128xf32, #tpu.memory_space<vmem>> -> memref<128x128xf32, #tpu.memory_space<vmem>>
    tpu.enqueue_dma source(%dma_start3A_175 : memref<128x128xf32, #tpu.memory_space<vmem>>) target(%dma_start3A_171 : memref<128x128xf32, #tpu.memory_space<hbm>>) target_semaphore(%arg15 : memref<!tpu.dma_semaphore, #tpu.memory_space<semaphore_mem>>)
    %dma_wait3A_176 = arith.constant 0 : i32
    %dma_wait3A_177 = arith.constant 0 : i32
    %dma_wait3A_178 = arith.constant 0 : i32
    %dma_wait3A_179 = tpu.memref_slice %arg6[%dma_wait3A_176, %dma_wait3A_177, %dma_wait3A_178] : memref<6x128x128xf32, #tpu.memory_space<vmem>> -> memref<1x128x128xf32, #tpu.memory_space<vmem>>
    %dma_wait3A_180 = tpu.memref_squeeze %dma_wait3A_179 : memref<1x128x128xf32, #tpu.memory_space<vmem>> -> memref<128x128xf32, #tpu.memory_space<vmem>>
    %dma_wait3A_181 = arith.constant 0 : i32
    %dma_wait3A_182 = arith.constant 0 : i32
    %dma_wait3A_183 = tpu.memref_slice %arg4[%add3A, %dma_wait3A_181, %dma_wait3A_182] : memref<32x2048x128xf32, #tpu.memory_space<hbm>> -> memref<1x128x128xf32, #tpu.memory_space<hbm>>
    %dma_wait3A_184 = tpu.memref_squeeze %dma_wait3A_183 : memref<1x128x128xf32, #tpu.memory_space<hbm>> -> memref<128x128xf32, #tpu.memory_space<hbm>>
    %dma_wait3A_185 = arith.constant 0 : i32
    %dma_wait3A_186 = arith.constant 0 : i32
    %dma_wait3A_187 = tpu.memref_slice %arg4[%add3A, %dma_wait3A_185, %dma_wait3A_186] : memref<32x2048x128xf32, #tpu.memory_space<hbm>> -> memref<1x128x128xf32, #tpu.memory_space<hbm>>
    %dma_wait3A_188 = tpu.memref_squeeze %dma_wait3A_187 : memref<1x128x128xf32, #tpu.memory_space<hbm>> -> memref<128x128xf32, #tpu.memory_space<hbm>>
    %dma_wait3A_189 = arith.constant 0 : i32
    %dma_wait3A_190 = arith.constant 0 : i32
    %dma_wait3A_191 = tpu.memref_slice %arg6[%dma_wait3A_176, %dma_wait3A_189, %dma_wait3A_190] : memref<6x128x128xf32, #tpu.memory_space<vmem>> -> memref<1x128x128xf32, #tpu.memory_space<vmem>>
    %dma_wait3A_192 = tpu.memref_squeeze %dma_wait3A_191 : memref<1x128x128xf32, #tpu.memory_space<vmem>> -> memref<128x128xf32, #tpu.memory_space<vmem>>
    tpu.wait_dma2 semaphore(%arg13 : memref<!tpu.dma_semaphore, #tpu.memory_space<semaphore_mem>>) src(%dma_wait3A_192 : memref<128x128xf32, #tpu.memory_space<vmem>>) dst(%dma_wait3A_188 : memref<128x128xf32, #tpu.memory_space<hbm>>)
    %dma_start3A_193 = arith.constant 0 : i32
    %dma_start3A_194 = arith.constant 0 : i32
    %dma_start3A_195 = arith.constant 0 : i32
    %dma_start3A_196 = tpu.memref_slice %arg6[%dma_start3A_193, %dma_start3A_194, %dma_start3A_195] : memref<6x128x128xf32, #tpu.memory_space<vmem>> -> memref<1x128x128xf32, #tpu.memory_space<vmem>>
    %dma_start3A_197 = tpu.memref_squeeze %dma_start3A_196 : memref<1x128x128xf32, #tpu.memory_space<vmem>> -> memref<128x128xf32, #tpu.memory_space<vmem>>
    %dma_start3A_198 = arith.constant 768 : i32
    %dma_start3A_199 = tpu.memref_slice %arg5[%dma_start3A_198] : memref<2048xi32, #tpu.memory_space<vmem>> -> memref<128xi32, #tpu.memory_space<vmem>>
    %dma_start3A_200 = arith.constant 0 : i32
    %dma_start3A_201 = arith.constant 0 : i32
    %dma_start3A_202 = tpu.memref_slice %arg2[%add3A, %dma_start3A_200, %dma_start3A_201] : memref<32x8192x128xf32, #tpu.memory_space<hbm>> -> memref<1x8192x128xf32, #tpu.memory_space<hbm>>
    %dma_start3A_203 = tpu.memref_squeeze %dma_start3A_202 : memref<1x8192x128xf32, #tpu.memory_space<hbm>> -> memref<8192x128xf32, #tpu.memory_space<hbm>>
    %dma_start3A_204 = arith.constant 0 : i32
    %dma_start3A_205 = arith.constant 0 : i32
    %dma_start3A_206 = tpu.memref_slice %dma_start3A_203[%dma_start3A_204, %dma_start3A_205] : memref<8192x128xf32, #tpu.memory_space<hbm>> -> memref<8192x128xf32, #tpu.memory_space<hbm>>
    tpu.enqueue_indirect_dma source(%dma_start3A_206 : memref<8192x128xf32, #tpu.memory_space<hbm>>) target(%dma_start3A_197 : memref<128x128xf32, #tpu.memory_space<vmem>>) offsets(%dma_start3A_199 : memref<128xi32, #tpu.memory_space<vmem>>) semaphore(%arg7 : memref<!tpu.dma_semaphore, #tpu.memory_space<semaphore_mem>>)
    %dma_wait3A_207 = arith.constant 3 : i32
    %dma_wait3A_208 = arith.constant 0 : i32
    %dma_wait3A_209 = arith.constant 0 : i32
    %dma_wait3A_210 = tpu.memref_slice %arg6[%dma_wait3A_207, %dma_wait3A_208, %dma_wait3A_209] : memref<6x128x128xf32, #tpu.memory_space<vmem>> -> memref<1x128x128xf32, #tpu.memory_space<vmem>>
    %dma_wait3A_211 = tpu.memref_squeeze %dma_wait3A_210 : memref<1x128x128xf32, #tpu.memory_space<vmem>> -> memref<128x128xf32, #tpu.memory_space<vmem>>
    %dma_wait3A_212 = arith.constant 384 : i32
    %dma_wait3A_213 = tpu.memref_slice %arg5[%dma_wait3A_212] : memref<2048xi32, #tpu.memory_space<vmem>> -> memref<128xi32, #tpu.memory_space<vmem>>
    %dma_wait3A_214 = arith.constant 0 : i32
    %dma_wait3A_215 = arith.constant 0 : i32
    %dma_wait3A_216 = tpu.memref_slice %arg2[%add3A, %dma_wait3A_214, %dma_wait3A_215] : memref<32x8192x128xf32, #tpu.memory_space<hbm>> -> memref<1x8192x128xf32, #tpu.memory_space<hbm>>
    %dma_wait3A_217 = tpu.memref_squeeze %dma_wait3A_216 : memref<1x8192x128xf32, #tpu.memory_space<hbm>> -> memref<8192x128xf32, #tpu.memory_space<hbm>>
    %dma_wait3A_218 = arith.constant 0 : i32
    %dma_wait3A_219 = arith.constant 0 : i32
    %dma_wait3A_220 = tpu.memref_slice %dma_wait3A_217[%dma_wait3A_218, %dma_wait3A_219] : memref<8192x128xf32, #tpu.memory_space<hbm>> -> memref<8192x128xf32, #tpu.memory_space<hbm>>
    tpu.wait_indirect_dma semaphore(%arg10 : memref<!tpu.dma_semaphore, #tpu.memory_space<semaphore_mem>>) src(%dma_wait3A_220 : memref<8192x128xf32, #tpu.memory_space<hbm>>) dst(%dma_wait3A_211 : memref<128x128xf32, #tpu.memory_space<vmem>>)
    %dma_start3A_221 = arith.constant 3 : i32
    %dma_start3A_222 = arith.constant 0 : i32
    %dma_start3A_223 = arith.constant 0 : i32
    %dma_start3A_224 = tpu.memref_slice %arg6[%dma_start3A_221, %dma_start3A_222, %dma_start3A_223] : memref<6x128x128xf32, #tpu.memory_space<vmem>> -> memref<1x128x128xf32, #tpu.memory_space<vmem>>
    %dma_start3A_225 = tpu.memref_squeeze %dma_start3A_224 : memref<1x128x128xf32, #tpu.memory_space<vmem>> -> memref<128x128xf32, #tpu.memory_space<vmem>>
    %dma_start3A_226 = arith.constant 384 : i32
    %dma_start3A_227 = arith.constant 0 : i32
    %dma_start3A_228 = tpu.memref_slice %arg4[%add3A, %dma_start3A_226, %dma_start3A_227] : memref<32x2048x128xf32, #tpu.memory_space<hbm>> -> memref<1x128x128xf32, #tpu.memory_space<hbm>>
    %dma_start3A_229 = tpu.memref_squeeze %dma_start3A_228 : memref<1x128x128xf32, #tpu.memory_space<hbm>> -> memref<128x128xf32, #tpu.memory_space<hbm>>
    %dma_start3A_230 = arith.constant 384 : i32
    %dma_start3A_231 = arith.constant 0 : i32
    %dma_start3A_232 = tpu.memref_slice %arg4[%add3A, %dma_start3A_230, %dma_start3A_231] : memref<32x2048x128xf32, #tpu.memory_space<hbm>> -> memref<1x128x128xf32, #tpu.memory_space<hbm>>
    %dma_start3A_233 = tpu.memref_squeeze %dma_start3A_232 : memref<1x128x128xf32, #tpu.memory_space<hbm>> -> memref<128x128xf32, #tpu.memory_space<hbm>>
    %dma_start3A_234 = arith.constant 0 : i32
    %dma_start3A_235 = arith.constant 0 : i32
    %dma_start3A_236 = tpu.memref_slice %arg6[%dma_start3A_221, %dma_start3A_234, %dma_start3A_235] : memref<6x128x128xf32, #tpu.memory_space<vmem>> -> memref<1x128x128xf32, #tpu.memory_space<vmem>>
    %dma_start3A_237 = tpu.memref_squeeze %dma_start3A_236 : memref<1x128x128xf32, #tpu.memory_space<vmem>> -> memref<128x128xf32, #tpu.memory_space<vmem>>
    tpu.enqueue_dma source(%dma_start3A_237 : memref<128x128xf32, #tpu.memory_space<vmem>>) target(%dma_start3A_233 : memref<128x128xf32, #tpu.memory_space<hbm>>) target_semaphore(%arg16 : memref<!tpu.dma_semaphore, #tpu.memory_space<semaphore_mem>>)
    %dma_wait3A_238 = arith.constant 1 : i32
    %dma_wait3A_239 = arith.constant 0 : i32
    %dma_wait3A_240 = arith.constant 0 : i32
    %dma_wait3A_241 = tpu.memref_slice %arg6[%dma_wait3A_238, %dma_wait3A_239, %dma_wait3A_240] : memref<6x128x128xf32, #tpu.memory_space<vmem>> -> memref<1x128x128xf32, #tpu.memory_space<vmem>>
    %dma_wait3A_242 = tpu.memref_squeeze %dma_wait3A_241 : memref<1x128x128xf32, #tpu.memory_space<vmem>> -> memref<128x128xf32, #tpu.memory_space<vmem>>
    %dma_wait3A_243 = arith.constant 128 : i32
    %dma_wait3A_244 = arith.constant 0 : i32
    %dma_wait3A_245 = tpu.memref_slice %arg4[%add3A, %dma_wait3A_243, %dma_wait3A_244] : memref<32x2048x128xf32, #tpu.memory_space<hbm>> -> memref<1x128x128xf32, #tpu.memory_space<hbm>>
    %dma_wait3A_246 = tpu.memref_squeeze %dma_wait3A_245 : memref<1x128x128xf32, #tpu.memory_space<hbm>> -> memref<128x128xf32, #tpu.memory_space<hbm>>
    %dma_wait3A_247 = arith.constant 128 : i32
    %dma_wait3A_248 = arith.constant 0 : i32
    %dma_wait3A_249 = tpu.memref_slice %arg4[%add3A, %dma_wait3A_247, %dma_wait3A_248] : memref<32x2048x128xf32, #tpu.memory_space<hbm>> -> memref<1x128x128xf32, #tpu.memory_space<hbm>>
    %dma_wait3A_250 = tpu.memref_squeeze %dma_wait3A_249 : memref<1x128x128xf32, #tpu.memory_space<hbm>> -> memref<128x128xf32, #tpu.memory_space<hbm>>
    %dma_wait3A_251 = arith.constant 0 : i32
    %dma_wait3A_252 = arith.constant 0 : i32
    %dma_wait3A_253 = tpu.memref_slice %arg6[%dma_wait3A_238, %dma_wait3A_251, %dma_wait3A_252] : memref<6x128x128xf32, #tpu.memory_space<vmem>> -> memref<1x128x128xf32, #tpu.memory_space<vmem>>
    %dma_wait3A_254 = tpu.memref_squeeze %dma_wait3A_253 : memref<1x128x128xf32, #tpu.memory_space<vmem>> -> memref<128x128xf32, #tpu.memory_space<vmem>>
    tpu.wait_dma2 semaphore(%arg14 : memref<!tpu.dma_semaphore, #tpu.memory_space<semaphore_mem>>) src(%dma_wait3A_254 : memref<128x128xf32, #tpu.memory_space<vmem>>) dst(%dma_wait3A_250 : memref<128x128xf32, #tpu.memory_space<hbm>>)
    %dma_start3A_255 = arith.constant 1 : i32
    %dma_start3A_256 = arith.constant 0 : i32
    %dma_start3A_257 = arith.constant 0 : i32
    %dma_start3A_258 = tpu.memref_slice %arg6[%dma_start3A_255, %dma_start3A_256, %dma_start3A_257] : memref<6x128x128xf32, #tpu.memory_space<vmem>> -> memref<1x128x128xf32, #tpu.memory_space<vmem>>
    %dma_start3A_259 = tpu.memref_squeeze %dma_start3A_258 : memref<1x128x128xf32, #tpu.memory_space<vmem>> -> memref<128x128xf32, #tpu.memory_space<vmem>>
    %dma_start3A_260 = arith.constant 896 : i32
    %dma_start3A_261 = tpu.memref_slice %arg5[%dma_start3A_260] : memref<2048xi32, #tpu.memory_space<vmem>> -> memref<128xi32, #tpu.memory_space<vmem>>
    %dma_start3A_262 = arith.constant 0 : i32
    %dma_start3A_263 = arith.constant 0 : i32
    %dma_start3A_264 = tpu.memref_slice %arg2[%add3A, %dma_start3A_262, %dma_start3A_263] : memref<32x8192x128xf32, #tpu.memory_space<hbm>> -> memref<1x8192x128xf32, #tpu.memory_space<hbm>>
    %dma_start3A_265 = tpu.memref_squeeze %dma_start3A_264 : memref<1x8192x128xf32, #tpu.memory_space<hbm>> -> memref<8192x128xf32, #tpu.memory_space<hbm>>
    %dma_start3A_266 = arith.constant 0 : i32
    %dma_start3A_267 = arith.constant 0 : i32
    %dma_start3A_268 = tpu.memref_slice %dma_start3A_265[%dma_start3A_266, %dma_start3A_267] : memref<8192x128xf32, #tpu.memory_space<hbm>> -> memref<8192x128xf32, #tpu.memory_space<hbm>>
    tpu.enqueue_indirect_dma source(%dma_start3A_268 : memref<8192x128xf32, #tpu.memory_space<hbm>>) target(%dma_start3A_259 : memref<128x128xf32, #tpu.memory_space<vmem>>) offsets(%dma_start3A_261 : memref<128xi32, #tpu.memory_space<vmem>>) semaphore(%arg8 : memref<!tpu.dma_semaphore, #tpu.memory_space<semaphore_mem>>)
    %dma_wait3A_269 = arith.constant 4 : i32
    %dma_wait3A_270 = arith.constant 0 : i32
    %dma_wait3A_271 = arith.constant 0 : i32
    %dma_wait3A_272 = tpu.memref_slice %arg6[%dma_wait3A_269, %dma_wait3A_270, %dma_wait3A_271] : memref<6x128x128xf32, #tpu.memory_space<vmem>> -> memref<1x128x128xf32, #tpu.memory_space<vmem>>
    %dma_wait3A_273 = tpu.memref_squeeze %dma_wait3A_272 : memref<1x128x128xf32, #tpu.memory_space<vmem>> -> memref<128x128xf32, #tpu.memory_space<vmem>>
    %dma_wait3A_274 = arith.constant 512 : i32
    %dma_wait3A_275 = tpu.memref_slice %arg5[%dma_wait3A_274] : memref<2048xi32, #tpu.memory_space<vmem>> -> memref<128xi32, #tpu.memory_space<vmem>>
    %dma_wait3A_276 = arith.constant 0 : i32
    %dma_wait3A_277 = arith.constant 0 : i32
    %dma_wait3A_278 = tpu.memref_slice %arg2[%add3A, %dma_wait3A_276, %dma_wait3A_277] : memref<32x8192x128xf32, #tpu.memory_space<hbm>> -> memref<1x8192x128xf32, #tpu.memory_space<hbm>>
    %dma_wait3A_279 = tpu.memref_squeeze %dma_wait3A_278 : memref<1x8192x128xf32, #tpu.memory_space<hbm>> -> memref<8192x128xf32, #tpu.memory_space<hbm>>
    %dma_wait3A_280 = arith.constant 0 : i32
    %dma_wait3A_281 = arith.constant 0 : i32
    %dma_wait3A_282 = tpu.memref_slice %dma_wait3A_279[%dma_wait3A_280, %dma_wait3A_281] : memref<8192x128xf32, #tpu.memory_space<hbm>> -> memref<8192x128xf32, #tpu.memory_space<hbm>>
    tpu.wait_indirect_dma semaphore(%arg11 : memref<!tpu.dma_semaphore, #tpu.memory_space<semaphore_mem>>) src(%dma_wait3A_282 : memref<8192x128xf32, #tpu.memory_space<hbm>>) dst(%dma_wait3A_273 : memref<128x128xf32, #tpu.memory_space<vmem>>)
    %dma_start3A_283 = arith.constant 4 : i32
    %dma_start3A_284 = arith.constant 0 : i32
    %dma_start3A_285 = arith.constant 0 : i32
    %dma_start3A_286 = tpu.memref_slice %arg6[%dma_start3A_283, %dma_start3A_284, %dma_start3A_285] : memref<6x128x128xf32, #tpu.memory_space<vmem>> -> memref<1x128x128xf32, #tpu.memory_space<vmem>>
    %dma_start3A_287 = tpu.memref_squeeze %dma_start3A_286 : memref<1x128x128xf32, #tpu.memory_space<vmem>> -> memref<128x128xf32, #tpu.memory_space<vmem>>
    %dma_start3A_288 = arith.constant 512 : i32
    %dma_start3A_289 = arith.constant 0 : i32
    %dma_start3A_290 = tpu.memref_slice %arg4[%add3A, %dma_start3A_288, %dma_start3A_289] : memref<32x2048x128xf32, #tpu.memory_space<hbm>> -> memref<1x128x128xf32, #tpu.memory_space<hbm>>
    %dma_start3A_291 = tpu.memref_squeeze %dma_start3A_290 : memref<1x128x128xf32, #tpu.memory_space<hbm>> -> memref<128x128xf32, #tpu.memory_space<hbm>>
    %dma_start3A_292 = arith.constant 512 : i32
    %dma_start3A_293 = arith.constant 0 : i32
    %dma_start3A_294 = tpu.memref_slice %arg4[%add3A, %dma_start3A_292, %dma_start3A_293] : memref<32x2048x128xf32, #tpu.memory_space<hbm>> -> memref<1x128x128xf32, #tpu.memory_space<hbm>>
    %dma_start3A_295 = tpu.memref_squeeze %dma_start3A_294 : memref<1x128x128xf32, #tpu.memory_space<hbm>> -> memref<128x128xf32, #tpu.memory_space<hbm>>
    %dma_start3A_296 = arith.constant 0 : i32
    %dma_start3A_297 = arith.constant 0 : i32
    %dma_start3A_298 = tpu.memref_slice %arg6[%dma_start3A_283, %dma_start3A_296, %dma_start3A_297] : memref<6x128x128xf32, #tpu.memory_space<vmem>> -> memref<1x128x128xf32, #tpu.memory_space<vmem>>
    %dma_start3A_299 = tpu.memref_squeeze %dma_start3A_298 : memref<1x128x128xf32, #tpu.memory_space<vmem>> -> memref<128x128xf32, #tpu.memory_space<vmem>>
    tpu.enqueue_dma source(%dma_start3A_299 : memref<128x128xf32, #tpu.memory_space<vmem>>) target(%dma_start3A_295 : memref<128x128xf32, #tpu.memory_space<hbm>>) target_semaphore(%arg17 : memref<!tpu.dma_semaphore, #tpu.memory_space<semaphore_mem>>)
    %dma_wait3A_300 = arith.constant 2 : i32
    %dma_wait3A_301 = arith.constant 0 : i32
    %dma_wait3A_302 = arith.constant 0 : i32
    %dma_wait3A_303 = tpu.memref_slice %arg6[%dma_wait3A_300, %dma_wait3A_301, %dma_wait3A_302] : memref<6x128x128xf32, #tpu.memory_space<vmem>> -> memref<1x128x128xf32, #tpu.memory_space<vmem>>
    %dma_wait3A_304 = tpu.memref_squeeze %dma_wait3A_303 : memref<1x128x128xf32, #tpu.memory_space<vmem>> -> memref<128x128xf32, #tpu.memory_space<vmem>>
    %dma_wait3A_305 = arith.constant 256 : i32
    %dma_wait3A_306 = arith.constant 0 : i32
    %dma_wait3A_307 = tpu.memref_slice %arg4[%add3A, %dma_wait3A_305, %dma_wait3A_306] : memref<32x2048x128xf32, #tpu.memory_space<hbm>> -> memref<1x128x128xf32, #tpu.memory_space<hbm>>
    %dma_wait3A_308 = tpu.memref_squeeze %dma_wait3A_307 : memref<1x128x128xf32, #tpu.memory_space<hbm>> -> memref<128x128xf32, #tpu.memory_space<hbm>>
    %dma_wait3A_309 = arith.constant 256 : i32
    %dma_wait3A_310 = arith.constant 0 : i32
    %dma_wait3A_311 = tpu.memref_slice %arg4[%add3A, %dma_wait3A_309, %dma_wait3A_310] : memref<32x2048x128xf32, #tpu.memory_space<hbm>> -> memref<1x128x128xf32, #tpu.memory_space<hbm>>
    %dma_wait3A_312 = tpu.memref_squeeze %dma_wait3A_311 : memref<1x128x128xf32, #tpu.memory_space<hbm>> -> memref<128x128xf32, #tpu.memory_space<hbm>>
    %dma_wait3A_313 = arith.constant 0 : i32
    %dma_wait3A_314 = arith.constant 0 : i32
    %dma_wait3A_315 = tpu.memref_slice %arg6[%dma_wait3A_300, %dma_wait3A_313, %dma_wait3A_314] : memref<6x128x128xf32, #tpu.memory_space<vmem>> -> memref<1x128x128xf32, #tpu.memory_space<vmem>>
    %dma_wait3A_316 = tpu.memref_squeeze %dma_wait3A_315 : memref<1x128x128xf32, #tpu.memory_space<vmem>> -> memref<128x128xf32, #tpu.memory_space<vmem>>
    tpu.wait_dma2 semaphore(%arg15 : memref<!tpu.dma_semaphore, #tpu.memory_space<semaphore_mem>>) src(%dma_wait3A_316 : memref<128x128xf32, #tpu.memory_space<vmem>>) dst(%dma_wait3A_312 : memref<128x128xf32, #tpu.memory_space<hbm>>)
    %dma_start3A_317 = arith.constant 2 : i32
    %dma_start3A_318 = arith.constant 0 : i32
    %dma_start3A_319 = arith.constant 0 : i32
    %dma_start3A_320 = tpu.memref_slice %arg6[%dma_start3A_317, %dma_start3A_318, %dma_start3A_319] : memref<6x128x128xf32, #tpu.memory_space<vmem>> -> memref<1x128x128xf32, #tpu.memory_space<vmem>>
    %dma_start3A_321 = tpu.memref_squeeze %dma_start3A_320 : memref<1x128x128xf32, #tpu.memory_space<vmem>> -> memref<128x128xf32, #tpu.memory_space<vmem>>
    %dma_start3A_322 = arith.constant 1024 : i32
    %dma_start3A_323 = tpu.memref_slice %arg5[%dma_start3A_322] : memref<2048xi32, #tpu.memory_space<vmem>> -> memref<128xi32, #tpu.memory_space<vmem>>
    %dma_start3A_324 = arith.constant 0 : i32
    %dma_start3A_325 = arith.constant 0 : i32
    %dma_start3A_326 = tpu.memref_slice %arg2[%add3A, %dma_start3A_324, %dma_start3A_325] : memref<32x8192x128xf32, #tpu.memory_space<hbm>> -> memref<1x8192x128xf32, #tpu.memory_space<hbm>>
    %dma_start3A_327 = tpu.memref_squeeze %dma_start3A_326 : memref<1x8192x128xf32, #tpu.memory_space<hbm>> -> memref<8192x128xf32, #tpu.memory_space<hbm>>
    %dma_start3A_328 = arith.constant 0 : i32
    %dma_start3A_329 = arith.constant 0 : i32
    %dma_start3A_330 = tpu.memref_slice %dma_start3A_327[%dma_start3A_328, %dma_start3A_329] : memref<8192x128xf32, #tpu.memory_space<hbm>> -> memref<8192x128xf32, #tpu.memory_space<hbm>>
    tpu.enqueue_indirect_dma source(%dma_start3A_330 : memref<8192x128xf32, #tpu.memory_space<hbm>>) target(%dma_start3A_321 : memref<128x128xf32, #tpu.memory_space<vmem>>) offsets(%dma_start3A_323 : memref<128xi32, #tpu.memory_space<vmem>>) semaphore(%arg9 : memref<!tpu.dma_semaphore, #tpu.memory_space<semaphore_mem>>)
    %dma_wait3A_331 = arith.constant 5 : i32
    %dma_wait3A_332 = arith.constant 0 : i32
    %dma_wait3A_333 = arith.constant 0 : i32
    %dma_wait3A_334 = tpu.memref_slice %arg6[%dma_wait3A_331, %dma_wait3A_332, %dma_wait3A_333] : memref<6x128x128xf32, #tpu.memory_space<vmem>> -> memref<1x128x128xf32, #tpu.memory_space<vmem>>
    %dma_wait3A_335 = tpu.memref_squeeze %dma_wait3A_334 : memref<1x128x128xf32, #tpu.memory_space<vmem>> -> memref<128x128xf32, #tpu.memory_space<vmem>>
    %dma_wait3A_336 = arith.constant 640 : i32
    %dma_wait3A_337 = tpu.memref_slice %arg5[%dma_wait3A_336] : memref<2048xi32, #tpu.memory_space<vmem>> -> memref<128xi32, #tpu.memory_space<vmem>>
    %dma_wait3A_338 = arith.constant 0 : i32
    %dma_wait3A_339 = arith.constant 0 : i32
    %dma_wait3A_340 = tpu.memref_slice %arg2[%add3A, %dma_wait3A_338, %dma_wait3A_339] : memref<32x8192x128xf32, #tpu.memory_space<hbm>> -> memref<1x8192x128xf32, #tpu.memory_space<hbm>>
    %dma_wait3A_341 = tpu.memref_squeeze %dma_wait3A_340 : memref<1x8192x128xf32, #tpu.memory_space<hbm>> -> memref<8192x128xf32, #tpu.memory_space<hbm>>
    %dma_wait3A_342 = arith.constant 0 : i32
    %dma_wait3A_343 = arith.constant 0 : i32
    %dma_wait3A_344 = tpu.memref_slice %dma_wait3A_341[%dma_wait3A_342, %dma_wait3A_343] : memref<8192x128xf32, #tpu.memory_space<hbm>> -> memref<8192x128xf32, #tpu.memory_space<hbm>>
    tpu.wait_indirect_dma semaphore(%arg12 : memref<!tpu.dma_semaphore, #tpu.memory_space<semaphore_mem>>) src(%dma_wait3A_344 : memref<8192x128xf32, #tpu.memory_space<hbm>>) dst(%dma_wait3A_335 : memref<128x128xf32, #tpu.memory_space<vmem>>)
    %dma_start3A_345 = arith.constant 5 : i32
    %dma_start3A_346 = arith.constant 0 : i32
    %dma_start3A_347 = arith.constant 0 : i32
    %dma_start3A_348 = tpu.memref_slice %arg6[%dma_start3A_345, %dma_start3A_346, %dma_start3A_347] : memref<6x128x128xf32, #tpu.memory_space<vmem>> -> memref<1x128x128xf32, #tpu.memory_space<vmem>>
    %dma_start3A_349 = tpu.memref_squeeze %dma_start3A_348 : memref<1x128x128xf32, #tpu.memory_space<vmem>> -> memref<128x128xf32, #tpu.memory_space<vmem>>
    %dma_start3A_350 = arith.constant 640 : i32
    %dma_start3A_351 = arith.constant 0 : i32
    %dma_start3A_352 = tpu.memref_slice %arg4[%add3A, %dma_start3A_350, %dma_start3A_351] : memref<32x2048x128xf32, #tpu.memory_space<hbm>> -> memref<1x128x128xf32, #tpu.memory_space<hbm>>
    %dma_start3A_353 = tpu.memref_squeeze %dma_start3A_352 : memref<1x128x128xf32, #tpu.memory_space<hbm>> -> memref<128x128xf32, #tpu.memory_space<hbm>>
    %dma_start3A_354 = arith.constant 640 : i32
    %dma_start3A_355 = arith.constant 0 : i32
    %dma_start3A_356 = tpu.memref_slice %arg4[%add3A, %dma_start3A_354, %dma_start3A_355] : memref<32x2048x128xf32, #tpu.memory_space<hbm>> -> memref<1x128x128xf32, #tpu.memory_space<hbm>>
    %dma_start3A_357 = tpu.memref_squeeze %dma_start3A_356 : memref<1x128x128xf32, #tpu.memory_space<hbm>> -> memref<128x128xf32, #tpu.memory_space<hbm>>
    %dma_start3A_358 = arith.constant 0 : i32
    %dma_start3A_359 = arith.constant 0 : i32
    %dma_start3A_360 = tpu.memref_slice %arg6[%dma_start3A_345, %dma_start3A_358, %dma_start3A_359] : memref<6x128x128xf32, #tpu.memory_space<vmem>> -> memref<1x128x128xf32, #tpu.memory_space<vmem>>
    %dma_start3A_361 = tpu.memref_squeeze %dma_start3A_360 : memref<1x128x128xf32, #tpu.memory_space<vmem>> -> memref<128x128xf32, #tpu.memory_space<vmem>>
    tpu.enqueue_dma source(%dma_start3A_361 : memref<128x128xf32, #tpu.memory_space<vmem>>) target(%dma_start3A_357 : memref<128x128xf32, #tpu.memory_space<hbm>>) target_semaphore(%arg18 : memref<!tpu.dma_semaphore, #tpu.memory_space<semaphore_mem>>)
    %dma_wait3A_362 = arith.constant 3 : i32
    %dma_wait3A_363 = arith.constant 0 : i32
    %dma_wait3A_364 = arith.constant 0 : i32
    %dma_wait3A_365 = tpu.memref_slice %arg6[%dma_wait3A_362, %dma_wait3A_363, %dma_wait3A_364] : memref<6x128x128xf32, #tpu.memory_space<vmem>> -> memref<1x128x128xf32, #tpu.memory_space<vmem>>
    %dma_wait3A_366 = tpu.memref_squeeze %dma_wait3A_365 : memref<1x128x128xf32, #tpu.memory_space<vmem>> -> memref<128x128xf32, #tpu.memory_space<vmem>>
    %dma_wait3A_367 = arith.constant 384 : i32
    %dma_wait3A_368 = arith.constant 0 : i32
    %dma_wait3A_369 = tpu.memref_slice %arg4[%add3A, %dma_wait3A_367, %dma_wait3A_368] : memref<32x2048x128xf32, #tpu.memory_space<hbm>> -> memref<1x128x128xf32, #tpu.memory_space<hbm>>
    %dma_wait3A_370 = tpu.memref_squeeze %dma_wait3A_369 : memref<1x128x128xf32, #tpu.memory_space<hbm>> -> memref<128x128xf32, #tpu.memory_space<hbm>>
    %dma_wait3A_371 = arith.constant 384 : i32
    %dma_wait3A_372 = arith.constant 0 : i32
    %dma_wait3A_373 = tpu.memref_slice %arg4[%add3A, %dma_wait3A_371, %dma_wait3A_372] : memref<32x2048x128xf32, #tpu.memory_space<hbm>> -> memref<1x128x128xf32, #tpu.memory_space<hbm>>
    %dma_wait3A_374 = tpu.memref_squeeze %dma_wait3A_373 : memref<1x128x128xf32, #tpu.memory_space<hbm>> -> memref<128x128xf32, #tpu.memory_space<hbm>>
    %dma_wait3A_375 = arith.constant 0 : i32
    %dma_wait3A_376 = arith.constant 0 : i32
    %dma_wait3A_377 = tpu.memref_slice %arg6[%dma_wait3A_362, %dma_wait3A_375, %dma_wait3A_376] : memref<6x128x128xf32, #tpu.memory_space<vmem>> -> memref<1x128x128xf32, #tpu.memory_space<vmem>>
    %dma_wait3A_378 = tpu.memref_squeeze %dma_wait3A_377 : memref<1x128x128xf32, #tpu.memory_space<vmem>> -> memref<128x128xf32, #tpu.memory_space<vmem>>
    tpu.wait_dma2 semaphore(%arg16 : memref<!tpu.dma_semaphore, #tpu.memory_space<semaphore_mem>>) src(%dma_wait3A_378 : memref<128x128xf32, #tpu.memory_space<vmem>>) dst(%dma_wait3A_374 : memref<128x128xf32, #tpu.memory_space<hbm>>)
    %dma_start3A_379 = arith.constant 3 : i32
    %dma_start3A_380 = arith.constant 0 : i32
    %dma_start3A_381 = arith.constant 0 : i32
    %dma_start3A_382 = tpu.memref_slice %arg6[%dma_start3A_379, %dma_start3A_380, %dma_start3A_381] : memref<6x128x128xf32, #tpu.memory_space<vmem>> -> memref<1x128x128xf32, #tpu.memory_space<vmem>>
    %dma_start3A_383 = tpu.memref_squeeze %dma_start3A_382 : memref<1x128x128xf32, #tpu.memory_space<vmem>> -> memref<128x128xf32, #tpu.memory_space<vmem>>
    %dma_start3A_384 = arith.constant 1152 : i32
    %dma_start3A_385 = tpu.memref_slice %arg5[%dma_start3A_384] : memref<2048xi32, #tpu.memory_space<vmem>> -> memref<128xi32, #tpu.memory_space<vmem>>
    %dma_start3A_386 = arith.constant 0 : i32
    %dma_start3A_387 = arith.constant 0 : i32
    %dma_start3A_388 = tpu.memref_slice %arg2[%add3A, %dma_start3A_386, %dma_start3A_387] : memref<32x8192x128xf32, #tpu.memory_space<hbm>> -> memref<1x8192x128xf32, #tpu.memory_space<hbm>>
    %dma_start3A_389 = tpu.memref_squeeze %dma_start3A_388 : memref<1x8192x128xf32, #tpu.memory_space<hbm>> -> memref<8192x128xf32, #tpu.memory_space<hbm>>
    %dma_start3A_390 = arith.constant 0 : i32
    %dma_start3A_391 = arith.constant 0 : i32
    %dma_start3A_392 = tpu.memref_slice %dma_start3A_389[%dma_start3A_390, %dma_start3A_391] : memref<8192x128xf32, #tpu.memory_space<hbm>> -> memref<8192x128xf32, #tpu.memory_space<hbm>>
    tpu.enqueue_indirect_dma source(%dma_start3A_392 : memref<8192x128xf32, #tpu.memory_space<hbm>>) target(%dma_start3A_383 : memref<128x128xf32, #tpu.memory_space<vmem>>) offsets(%dma_start3A_385 : memref<128xi32, #tpu.memory_space<vmem>>) semaphore(%arg10 : memref<!tpu.dma_semaphore, #tpu.memory_space<semaphore_mem>>)
    %dma_wait3A_393 = arith.constant 0 : i32
    %dma_wait3A_394 = arith.constant 0 : i32
    %dma_wait3A_395 = arith.constant 0 : i32
    %dma_wait3A_396 = tpu.memref_slice %arg6[%dma_wait3A_393, %dma_wait3A_394, %dma_wait3A_395] : memref<6x128x128xf32, #tpu.memory_space<vmem>> -> memref<1x128x128xf32, #tpu.memory_space<vmem>>
    %dma_wait3A_397 = tpu.memref_squeeze %dma_wait3A_396 : memref<1x128x128xf32, #tpu.memory_space<vmem>> -> memref<128x128xf32, #tpu.memory_space<vmem>>
    %dma_wait3A_398 = arith.constant 768 : i32
    %dma_wait3A_399 = tpu.memref_slice %arg5[%dma_wait3A_398] : memref<2048xi32, #tpu.memory_space<vmem>> -> memref<128xi32, #tpu.memory_space<vmem>>
    %dma_wait3A_400 = arith.constant 0 : i32
    %dma_wait3A_401 = arith.constant 0 : i32
    %dma_wait3A_402 = tpu.memref_slice %arg2[%add3A, %dma_wait3A_400, %dma_wait3A_401] : memref<32x8192x128xf32, #tpu.memory_space<hbm>> -> memref<1x8192x128xf32, #tpu.memory_space<hbm>>
    %dma_wait3A_403 = tpu.memref_squeeze %dma_wait3A_402 : memref<1x8192x128xf32, #tpu.memory_space<hbm>> -> memref<8192x128xf32, #tpu.memory_space<hbm>>
    %dma_wait3A_404 = arith.constant 0 : i32
    %dma_wait3A_405 = arith.constant 0 : i32
    %dma_wait3A_406 = tpu.memref_slice %dma_wait3A_403[%dma_wait3A_404, %dma_wait3A_405] : memref<8192x128xf32, #tpu.memory_space<hbm>> -> memref<8192x128xf32, #tpu.memory_space<hbm>>
    tpu.wait_indirect_dma semaphore(%arg7 : memref<!tpu.dma_semaphore, #tpu.memory_space<semaphore_mem>>) src(%dma_wait3A_406 : memref<8192x128xf32, #tpu.memory_space<hbm>>) dst(%dma_wait3A_397 : memref<128x128xf32, #tpu.memory_space<vmem>>)
    %dma_start3A_407 = arith.constant 0 : i32
    %dma_start3A_408 = arith.constant 0 : i32
    %dma_start3A_409 = arith.constant 0 : i32
    %dma_start3A_410 = tpu.memref_slice %arg6[%dma_start3A_407, %dma_start3A_408, %dma_start3A_409] : memref<6x128x128xf32, #tpu.memory_space<vmem>> -> memref<1x128x128xf32, #tpu.memory_space<vmem>>
    %dma_start3A_411 = tpu.memref_squeeze %dma_start3A_410 : memref<1x128x128xf32, #tpu.memory_space<vmem>> -> memref<128x128xf32, #tpu.memory_space<vmem>>
    %dma_start3A_412 = arith.constant 768 : i32
    %dma_start3A_413 = arith.constant 0 : i32
    %dma_start3A_414 = tpu.memref_slice %arg4[%add3A, %dma_start3A_412, %dma_start3A_413] : memref<32x2048x128xf32, #tpu.memory_space<hbm>> -> memref<1x128x128xf32, #tpu.memory_space<hbm>>
    %dma_start3A_415 = tpu.memref_squeeze %dma_start3A_414 : memref<1x128x128xf32, #tpu.memory_space<hbm>> -> memref<128x128xf32, #tpu.memory_space<hbm>>
    %dma_start3A_416 = arith.constant 768 : i32
    %dma_start3A_417 = arith.constant 0 : i32
    %dma_start3A_418 = tpu.memref_slice %arg4[%add3A, %dma_start3A_416, %dma_start3A_417] : memref<32x2048x128xf32, #tpu.memory_space<hbm>> -> memref<1x128x128xf32, #tpu.memory_space<hbm>>
    %dma_start3A_419 = tpu.memref_squeeze %dma_start3A_418 : memref<1x128x128xf32, #tpu.memory_space<hbm>> -> memref<128x128xf32, #tpu.memory_space<hbm>>
    %dma_start3A_420 = arith.constant 0 : i32
    %dma_start3A_421 = arith.constant 0 : i32
    %dma_start3A_422 = tpu.memref_slice %arg6[%dma_start3A_407, %dma_start3A_420, %dma_start3A_421] : memref<6x128x128xf32, #tpu.memory_space<vmem>> -> memref<1x128x128xf32, #tpu.memory_space<vmem>>
    %dma_start3A_423 = tpu.memref_squeeze %dma_start3A_422 : memref<1x128x128xf32, #tpu.memory_space<vmem>> -> memref<128x128xf32, #tpu.memory_space<vmem>>
    tpu.enqueue_dma source(%dma_start3A_423 : memref<128x128xf32, #tpu.memory_space<vmem>>) target(%dma_start3A_419 : memref<128x128xf32, #tpu.memory_space<hbm>>) target_semaphore(%arg13 : memref<!tpu.dma_semaphore, #tpu.memory_space<semaphore_mem>>)
    %dma_wait3A_424 = arith.constant 4 : i32
    %dma_wait3A_425 = arith.constant 0 : i32
    %dma_wait3A_426 = arith.constant 0 : i32
    %dma_wait3A_427 = tpu.memref_slice %arg6[%dma_wait3A_424, %dma_wait3A_425, %dma_wait3A_426] : memref<6x128x128xf32, #tpu.memory_space<vmem>> -> memref<1x128x128xf32, #tpu.memory_space<vmem>>
    %dma_wait3A_428 = tpu.memref_squeeze %dma_wait3A_427 : memref<1x128x128xf32, #tpu.memory_space<vmem>> -> memref<128x128xf32, #tpu.memory_space<vmem>>
    %dma_wait3A_429 = arith.constant 512 : i32
    %dma_wait3A_430 = arith.constant 0 : i32
    %dma_wait3A_431 = tpu.memref_slice %arg4[%add3A, %dma_wait3A_429, %dma_wait3A_430] : memref<32x2048x128xf32, #tpu.memory_space<hbm>> -> memref<1x128x128xf32, #tpu.memory_space<hbm>>
    %dma_wait3A_432 = tpu.memref_squeeze %dma_wait3A_431 : memref<1x128x128xf32, #tpu.memory_space<hbm>> -> memref<128x128xf32, #tpu.memory_space<hbm>>
    %dma_wait3A_433 = arith.constant 512 : i32
    %dma_wait3A_434 = arith.constant 0 : i32
    %dma_wait3A_435 = tpu.memref_slice %arg4[%add3A, %dma_wait3A_433, %dma_wait3A_434] : memref<32x2048x128xf32, #tpu.memory_space<hbm>> -> memref<1x128x128xf32, #tpu.memory_space<hbm>>
    %dma_wait3A_436 = tpu.memref_squeeze %dma_wait3A_435 : memref<1x128x128xf32, #tpu.memory_space<hbm>> -> memref<128x128xf32, #tpu.memory_space<hbm>>
    %dma_wait3A_437 = arith.constant 0 : i32
    %dma_wait3A_438 = arith.constant 0 : i32
    %dma_wait3A_439 = tpu.memref_slice %arg6[%dma_wait3A_424, %dma_wait3A_437, %dma_wait3A_438] : memref<6x128x128xf32, #tpu.memory_space<vmem>> -> memref<1x128x128xf32, #tpu.memory_space<vmem>>
    %dma_wait3A_440 = tpu.memref_squeeze %dma_wait3A_439 : memref<1x128x128xf32, #tpu.memory_space<vmem>> -> memref<128x128xf32, #tpu.memory_space<vmem>>
    tpu.wait_dma2 semaphore(%arg17 : memref<!tpu.dma_semaphore, #tpu.memory_space<semaphore_mem>>) src(%dma_wait3A_440 : memref<128x128xf32, #tpu.memory_space<vmem>>) dst(%dma_wait3A_436 : memref<128x128xf32, #tpu.memory_space<hbm>>)
    %dma_start3A_441 = arith.constant 4 : i32
    %dma_start3A_442 = arith.constant 0 : i32
    %dma_start3A_443 = arith.constant 0 : i32
    %dma_start3A_444 = tpu.memref_slice %arg6[%dma_start3A_441, %dma_start3A_442, %dma_start3A_443] : memref<6x128x128xf32, #tpu.memory_space<vmem>> -> memref<1x128x128xf32, #tpu.memory_space<vmem>>
    %dma_start3A_445 = tpu.memref_squeeze %dma_start3A_444 : memref<1x128x128xf32, #tpu.memory_space<vmem>> -> memref<128x128xf32, #tpu.memory_space<vmem>>
    %dma_start3A_446 = arith.constant 1280 : i32
    %dma_start3A_447 = tpu.memref_slice %arg5[%dma_start3A_446] : memref<2048xi32, #tpu.memory_space<vmem>> -> memref<128xi32, #tpu.memory_space<vmem>>
    %dma_start3A_448 = arith.constant 0 : i32
    %dma_start3A_449 = arith.constant 0 : i32
    %dma_start3A_450 = tpu.memref_slice %arg2[%add3A, %dma_start3A_448, %dma_start3A_449] : memref<32x8192x128xf32, #tpu.memory_space<hbm>> -> memref<1x8192x128xf32, #tpu.memory_space<hbm>>
    %dma_start3A_451 = tpu.memref_squeeze %dma_start3A_450 : memref<1x8192x128xf32, #tpu.memory_space<hbm>> -> memref<8192x128xf32, #tpu.memory_space<hbm>>
    %dma_start3A_452 = arith.constant 0 : i32
    %dma_start3A_453 = arith.constant 0 : i32
    %dma_start3A_454 = tpu.memref_slice %dma_start3A_451[%dma_start3A_452, %dma_start3A_453] : memref<8192x128xf32, #tpu.memory_space<hbm>> -> memref<8192x128xf32, #tpu.memory_space<hbm>>
    tpu.enqueue_indirect_dma source(%dma_start3A_454 : memref<8192x128xf32, #tpu.memory_space<hbm>>) target(%dma_start3A_445 : memref<128x128xf32, #tpu.memory_space<vmem>>) offsets(%dma_start3A_447 : memref<128xi32, #tpu.memory_space<vmem>>) semaphore(%arg11 : memref<!tpu.dma_semaphore, #tpu.memory_space<semaphore_mem>>)
    %dma_wait3A_455 = arith.constant 1 : i32
    %dma_wait3A_456 = arith.constant 0 : i32
    %dma_wait3A_457 = arith.constant 0 : i32
    %dma_wait3A_458 = tpu.memref_slice %arg6[%dma_wait3A_455, %dma_wait3A_456, %dma_wait3A_457] : memref<6x128x128xf32, #tpu.memory_space<vmem>> -> memref<1x128x128xf32, #tpu.memory_space<vmem>>
    %dma_wait3A_459 = tpu.memref_squeeze %dma_wait3A_458 : memref<1x128x128xf32, #tpu.memory_space<vmem>> -> memref<128x128xf32, #tpu.memory_space<vmem>>
    %dma_wait3A_460 = arith.constant 896 : i32
    %dma_wait3A_461 = tpu.memref_slice %arg5[%dma_wait3A_460] : memref<2048xi32, #tpu.memory_space<vmem>> -> memref<128xi32, #tpu.memory_space<vmem>>
    %dma_wait3A_462 = arith.constant 0 : i32
    %dma_wait3A_463 = arith.constant 0 : i32
    %dma_wait3A_464 = tpu.memref_slice %arg2[%add3A, %dma_wait3A_462, %dma_wait3A_463] : memref<32x8192x128xf32, #tpu.memory_space<hbm>> -> memref<1x8192x128xf32, #tpu.memory_space<hbm>>
    %dma_wait3A_465 = tpu.memref_squeeze %dma_wait3A_464 : memref<1x8192x128xf32, #tpu.memory_space<hbm>> -> memref<8192x128xf32, #tpu.memory_space<hbm>>
    %dma_wait3A_466 = arith.constant 0 : i32
    %dma_wait3A_467 = arith.constant 0 : i32
    %dma_wait3A_468 = tpu.memref_slice %dma_wait3A_465[%dma_wait3A_466, %dma_wait3A_467] : memref<8192x128xf32, #tpu.memory_space<hbm>> -> memref<8192x128xf32, #tpu.memory_space<hbm>>
    tpu.wait_indirect_dma semaphore(%arg8 : memref<!tpu.dma_semaphore, #tpu.memory_space<semaphore_mem>>) src(%dma_wait3A_468 : memref<8192x128xf32, #tpu.memory_space<hbm>>) dst(%dma_wait3A_459 : memref<128x128xf32, #tpu.memory_space<vmem>>)
    %dma_start3A_469 = arith.constant 1 : i32
    %dma_start3A_470 = arith.constant 0 : i32
    %dma_start3A_471 = arith.constant 0 : i32
    %dma_start3A_472 = tpu.memref_slice %arg6[%dma_start3A_469, %dma_start3A_470, %dma_start3A_471] : memref<6x128x128xf32, #tpu.memory_space<vmem>> -> memref<1x128x128xf32, #tpu.memory_space<vmem>>
    %dma_start3A_473 = tpu.memref_squeeze %dma_start3A_472 : memref<1x128x128xf32, #tpu.memory_space<vmem>> -> memref<128x128xf32, #tpu.memory_space<vmem>>
    %dma_start3A_474 = arith.constant 896 : i32
    %dma_start3A_475 = arith.constant 0 : i32
    %dma_start3A_476 = tpu.memref_slice %arg4[%add3A, %dma_start3A_474, %dma_start3A_475] : memref<32x2048x128xf32, #tpu.memory_space<hbm>> -> memref<1x128x128xf32, #tpu.memory_space<hbm>>
    %dma_start3A_477 = tpu.memref_squeeze %dma_start3A_476 : memref<1x128x128xf32, #tpu.memory_space<hbm>> -> memref<128x128xf32, #tpu.memory_space<hbm>>
    %dma_start3A_478 = arith.constant 896 : i32
    %dma_start3A_479 = arith.constant 0 : i32
    %dma_start3A_480 = tpu.memref_slice %arg4[%add3A, %dma_start3A_478, %dma_start3A_479] : memref<32x2048x128xf32, #tpu.memory_space<hbm>> -> memref<1x128x128xf32, #tpu.memory_space<hbm>>
    %dma_start3A_481 = tpu.memref_squeeze %dma_start3A_480 : memref<1x128x128xf32, #tpu.memory_space<hbm>> -> memref<128x128xf32, #tpu.memory_space<hbm>>
    %dma_start3A_482 = arith.constant 0 : i32
    %dma_start3A_483 = arith.constant 0 : i32
    %dma_start3A_484 = tpu.memref_slice %arg6[%dma_start3A_469, %dma_start3A_482, %dma_start3A_483] : memref<6x128x128xf32, #tpu.memory_space<vmem>> -> memref<1x128x128xf32, #tpu.memory_space<vmem>>
    %dma_start3A_485 = tpu.memref_squeeze %dma_start3A_484 : memref<1x128x128xf32, #tpu.memory_space<vmem>> -> memref<128x128xf32, #tpu.memory_space<vmem>>
    tpu.enqueue_dma source(%dma_start3A_485 : memref<128x128xf32, #tpu.memory_space<vmem>>) target(%dma_start3A_481 : memref<128x128xf32, #tpu.memory_space<hbm>>) target_semaphore(%arg14 : memref<!tpu.dma_semaphore, #tpu.memory_space<semaphore_mem>>)
    %dma_wait3A_486 = arith.constant 5 : i32
    %dma_wait3A_487 = arith.constant 0 : i32
    %dma_wait3A_488 = arith.constant 0 : i32
    %dma_wait3A_489 = tpu.memref_slice %arg6[%dma_wait3A_486, %dma_wait3A_487, %dma_wait3A_488] : memref<6x128x128xf32, #tpu.memory_space<vmem>> -> memref<1x128x128xf32, #tpu.memory_space<vmem>>
    %dma_wait3A_490 = tpu.memref_squeeze %dma_wait3A_489 : memref<1x128x128xf32, #tpu.memory_space<vmem>> -> memref<128x128xf32, #tpu.memory_space<vmem>>
    %dma_wait3A_491 = arith.constant 640 : i32
    %dma_wait3A_492 = arith.constant 0 : i32
    %dma_wait3A_493 = tpu.memref_slice %arg4[%add3A, %dma_wait3A_491, %dma_wait3A_492] : memref<32x2048x128xf32, #tpu.memory_space<hbm>> -> memref<1x128x128xf32, #tpu.memory_space<hbm>>
    %dma_wait3A_494 = tpu.memref_squeeze %dma_wait3A_493 : memref<1x128x128xf32, #tpu.memory_space<hbm>> -> memref<128x128xf32, #tpu.memory_space<hbm>>
    %dma_wait3A_495 = arith.constant 640 : i32
    %dma_wait3A_496 = arith.constant 0 : i32
    %dma_wait3A_497 = tpu.memref_slice %arg4[%add3A, %dma_wait3A_495, %dma_wait3A_496] : memref<32x2048x128xf32, #tpu.memory_space<hbm>> -> memref<1x128x128xf32, #tpu.memory_space<hbm>>
    %dma_wait3A_498 = tpu.memref_squeeze %dma_wait3A_497 : memref<1x128x128xf32, #tpu.memory_space<hbm>> -> memref<128x128xf32, #tpu.memory_space<hbm>>
    %dma_wait3A_499 = arith.constant 0 : i32
    %dma_wait3A_500 = arith.constant 0 : i32
    %dma_wait3A_501 = tpu.memref_slice %arg6[%dma_wait3A_486, %dma_wait3A_499, %dma_wait3A_500] : memref<6x128x128xf32, #tpu.memory_space<vmem>> -> memref<1x128x128xf32, #tpu.memory_space<vmem>>
    %dma_wait3A_502 = tpu.memref_squeeze %dma_wait3A_501 : memref<1x128x128xf32, #tpu.memory_space<vmem>> -> memref<128x128xf32, #tpu.memory_space<vmem>>
    tpu.wait_dma2 semaphore(%arg18 : memref<!tpu.dma_semaphore, #tpu.memory_space<semaphore_mem>>) src(%dma_wait3A_502 : memref<128x128xf32, #tpu.memory_space<vmem>>) dst(%dma_wait3A_498 : memref<128x128xf32, #tpu.memory_space<hbm>>)
    %dma_start3A_503 = arith.constant 5 : i32
    %dma_start3A_504 = arith.constant 0 : i32
    %dma_start3A_505 = arith.constant 0 : i32
    %dma_start3A_506 = tpu.memref_slice %arg6[%dma_start3A_503, %dma_start3A_504, %dma_start3A_505] : memref<6x128x128xf32, #tpu.memory_space<vmem>> -> memref<1x128x128xf32, #tpu.memory_space<vmem>>
    %dma_start3A_507 = tpu.memref_squeeze %dma_start3A_506 : memref<1x128x128xf32, #tpu.memory_space<vmem>> -> memref<128x128xf32, #tpu.memory_space<vmem>>
    %dma_start3A_508 = arith.constant 1408 : i32
    %dma_start3A_509 = tpu.memref_slice %arg5[%dma_start3A_508] : memref<2048xi32, #tpu.memory_space<vmem>> -> memref<128xi32, #tpu.memory_space<vmem>>
    %dma_start3A_510 = arith.constant 0 : i32
    %dma_start3A_511 = arith.constant 0 : i32
    %dma_start3A_512 = tpu.memref_slice %arg2[%add3A, %dma_start3A_510, %dma_start3A_511] : memref<32x8192x128xf32, #tpu.memory_space<hbm>> -> memref<1x8192x128xf32, #tpu.memory_space<hbm>>
    %dma_start3A_513 = tpu.memref_squeeze %dma_start3A_512 : memref<1x8192x128xf32, #tpu.memory_space<hbm>> -> memref<8192x128xf32, #tpu.memory_space<hbm>>
    %dma_start3A_514 = arith.constant 0 : i32
    %dma_start3A_515 = arith.constant 0 : i32
    %dma_start3A_516 = tpu.memref_slice %dma_start3A_513[%dma_start3A_514, %dma_start3A_515] : memref<8192x128xf32, #tpu.memory_space<hbm>> -> memref<8192x128xf32, #tpu.memory_space<hbm>>
    tpu.enqueue_indirect_dma source(%dma_start3A_516 : memref<8192x128xf32, #tpu.memory_space<hbm>>) target(%dma_start3A_507 : memref<128x128xf32, #tpu.memory_space<vmem>>) offsets(%dma_start3A_509 : memref<128xi32, #tpu.memory_space<vmem>>) semaphore(%arg12 : memref<!tpu.dma_semaphore, #tpu.memory_space<semaphore_mem>>)
    %dma_wait3A_517 = arith.constant 2 : i32
    %dma_wait3A_518 = arith.constant 0 : i32
    %dma_wait3A_519 = arith.constant 0 : i32
    %dma_wait3A_520 = tpu.memref_slice %arg6[%dma_wait3A_517, %dma_wait3A_518, %dma_wait3A_519] : memref<6x128x128xf32, #tpu.memory_space<vmem>> -> memref<1x128x128xf32, #tpu.memory_space<vmem>>
    %dma_wait3A_521 = tpu.memref_squeeze %dma_wait3A_520 : memref<1x128x128xf32, #tpu.memory_space<vmem>> -> memref<128x128xf32, #tpu.memory_space<vmem>>
    %dma_wait3A_522 = arith.constant 1024 : i32
    %dma_wait3A_523 = tpu.memref_slice %arg5[%dma_wait3A_522] : memref<2048xi32, #tpu.memory_space<vmem>> -> memref<128xi32, #tpu.memory_space<vmem>>
    %dma_wait3A_524 = arith.constant 0 : i32
    %dma_wait3A_525 = arith.constant 0 : i32
    %dma_wait3A_526 = tpu.memref_slice %arg2[%add3A, %dma_wait3A_524, %dma_wait3A_525] : memref<32x8192x128xf32, #tpu.memory_space<hbm>> -> memref<1x8192x128xf32, #tpu.memory_space<hbm>>
    %dma_wait3A_527 = tpu.memref_squeeze %dma_wait3A_526 : memref<1x8192x128xf32, #tpu.memory_space<hbm>> -> memref<8192x128xf32, #tpu.memory_space<hbm>>
    %dma_wait3A_528 = arith.constant 0 : i32
    %dma_wait3A_529 = arith.constant 0 : i32
    %dma_wait3A_530 = tpu.memref_slice %dma_wait3A_527[%dma_wait3A_528, %dma_wait3A_529] : memref<8192x128xf32, #tpu.memory_space<hbm>> -> memref<8192x128xf32, #tpu.memory_space<hbm>>
    tpu.wait_indirect_dma semaphore(%arg9 : memref<!tpu.dma_semaphore, #tpu.memory_space<semaphore_mem>>) src(%dma_wait3A_530 : memref<8192x128xf32, #tpu.memory_space<hbm>>) dst(%dma_wait3A_521 : memref<128x128xf32, #tpu.memory_space<vmem>>)
    %dma_start3A_531 = arith.constant 2 : i32
    %dma_start3A_532 = arith.constant 0 : i32
    %dma_start3A_533 = arith.constant 0 : i32
    %dma_start3A_534 = tpu.memref_slice %arg6[%dma_start3A_531, %dma_start3A_532, %dma_start3A_533] : memref<6x128x128xf32, #tpu.memory_space<vmem>> -> memref<1x128x128xf32, #tpu.memory_space<vmem>>
    %dma_start3A_535 = tpu.memref_squeeze %dma_start3A_534 : memref<1x128x128xf32, #tpu.memory_space<vmem>> -> memref<128x128xf32, #tpu.memory_space<vmem>>
    %dma_start3A_536 = arith.constant 1024 : i32
    %dma_start3A_537 = arith.constant 0 : i32
    %dma_start3A_538 = tpu.memref_slice %arg4[%add3A, %dma_start3A_536, %dma_start3A_537] : memref<32x2048x128xf32, #tpu.memory_space<hbm>> -> memref<1x128x128xf32, #tpu.memory_space<hbm>>
    %dma_start3A_539 = tpu.memref_squeeze %dma_start3A_538 : memref<1x128x128xf32, #tpu.memory_space<hbm>> -> memref<128x128xf32, #tpu.memory_space<hbm>>
    %dma_start3A_540 = arith.constant 1024 : i32
    %dma_start3A_541 = arith.constant 0 : i32
    %dma_start3A_542 = tpu.memref_slice %arg4[%add3A, %dma_start3A_540, %dma_start3A_541] : memref<32x2048x128xf32, #tpu.memory_space<hbm>> -> memref<1x128x128xf32, #tpu.memory_space<hbm>>
    %dma_start3A_543 = tpu.memref_squeeze %dma_start3A_542 : memref<1x128x128xf32, #tpu.memory_space<hbm>> -> memref<128x128xf32, #tpu.memory_space<hbm>>
    %dma_start3A_544 = arith.constant 0 : i32
    %dma_start3A_545 = arith.constant 0 : i32
    %dma_start3A_546 = tpu.memref_slice %arg6[%dma_start3A_531, %dma_start3A_544, %dma_start3A_545] : memref<6x128x128xf32, #tpu.memory_space<vmem>> -> memref<1x128x128xf32, #tpu.memory_space<vmem>>
    %dma_start3A_547 = tpu.memref_squeeze %dma_start3A_546 : memref<1x128x128xf32, #tpu.memory_space<vmem>> -> memref<128x128xf32, #tpu.memory_space<vmem>>
    tpu.enqueue_dma source(%dma_start3A_547 : memref<128x128xf32, #tpu.memory_space<vmem>>) target(%dma_start3A_543 : memref<128x128xf32, #tpu.memory_space<hbm>>) target_semaphore(%arg15 : memref<!tpu.dma_semaphore, #tpu.memory_space<semaphore_mem>>)
    %dma_wait3A_548 = arith.constant 0 : i32
    %dma_wait3A_549 = arith.constant 0 : i32
    %dma_wait3A_550 = arith.constant 0 : i32
    %dma_wait3A_551 = tpu.memref_slice %arg6[%dma_wait3A_548, %dma_wait3A_549, %dma_wait3A_550] : memref<6x128x128xf32, #tpu.memory_space<vmem>> -> memref<1x128x128xf32, #tpu.memory_space<vmem>>
    %dma_wait3A_552 = tpu.memref_squeeze %dma_wait3A_551 : memref<1x128x128xf32, #tpu.memory_space<vmem>> -> memref<128x128xf32, #tpu.memory_space<vmem>>
    %dma_wait3A_553 = arith.constant 768 : i32
    %dma_wait3A_554 = arith.constant 0 : i32
    %dma_wait3A_555 = tpu.memref_slice %arg4[%add3A, %dma_wait3A_553, %dma_wait3A_554] : memref<32x2048x128xf32, #tpu.memory_space<hbm>> -> memref<1x128x128xf32, #tpu.memory_space<hbm>>
    %dma_wait3A_556 = tpu.memref_squeeze %dma_wait3A_555 : memref<1x128x128xf32, #tpu.memory_space<hbm>> -> memref<128x128xf32, #tpu.memory_space<hbm>>
    %dma_wait3A_557 = arith.constant 768 : i32
    %dma_wait3A_558 = arith.constant 0 : i32
    %dma_wait3A_559 = tpu.memref_slice %arg4[%add3A, %dma_wait3A_557, %dma_wait3A_558] : memref<32x2048x128xf32, #tpu.memory_space<hbm>> -> memref<1x128x128xf32, #tpu.memory_space<hbm>>
    %dma_wait3A_560 = tpu.memref_squeeze %dma_wait3A_559 : memref<1x128x128xf32, #tpu.memory_space<hbm>> -> memref<128x128xf32, #tpu.memory_space<hbm>>
    %dma_wait3A_561 = arith.constant 0 : i32
    %dma_wait3A_562 = arith.constant 0 : i32
    %dma_wait3A_563 = tpu.memref_slice %arg6[%dma_wait3A_548, %dma_wait3A_561, %dma_wait3A_562] : memref<6x128x128xf32, #tpu.memory_space<vmem>> -> memref<1x128x128xf32, #tpu.memory_space<vmem>>
    %dma_wait3A_564 = tpu.memref_squeeze %dma_wait3A_563 : memref<1x128x128xf32, #tpu.memory_space<vmem>> -> memref<128x128xf32, #tpu.memory_space<vmem>>
    tpu.wait_dma2 semaphore(%arg13 : memref<!tpu.dma_semaphore, #tpu.memory_space<semaphore_mem>>) src(%dma_wait3A_564 : memref<128x128xf32, #tpu.memory_space<vmem>>) dst(%dma_wait3A_560 : memref<128x128xf32, #tpu.memory_space<hbm>>)
    %dma_start3A_565 = arith.constant 0 : i32
    %dma_start3A_566 = arith.constant 0 : i32
    %dma_start3A_567 = arith.constant 0 : i32
    %dma_start3A_568 = tpu.memref_slice %arg6[%dma_start3A_565, %dma_start3A_566, %dma_start3A_567] : memref<6x128x128xf32, #tpu.memory_space<vmem>> -> memref<1x128x128xf32, #tpu.memory_space<vmem>>
    %dma_start3A_569 = tpu.memref_squeeze %dma_start3A_568 : memref<1x128x128xf32, #tpu.memory_space<vmem>> -> memref<128x128xf32, #tpu.memory_space<vmem>>
    %dma_start3A_570 = arith.constant 1536 : i32
    %dma_start3A_571 = tpu.memref_slice %arg5[%dma_start3A_570] : memref<2048xi32, #tpu.memory_space<vmem>> -> memref<128xi32, #tpu.memory_space<vmem>>
    %dma_start3A_572 = arith.constant 0 : i32
    %dma_start3A_573 = arith.constant 0 : i32
    %dma_start3A_574 = tpu.memref_slice %arg2[%add3A, %dma_start3A_572, %dma_start3A_573] : memref<32x8192x128xf32, #tpu.memory_space<hbm>> -> memref<1x8192x128xf32, #tpu.memory_space<hbm>>
    %dma_start3A_575 = tpu.memref_squeeze %dma_start3A_574 : memref<1x8192x128xf32, #tpu.memory_space<hbm>> -> memref<8192x128xf32, #tpu.memory_space<hbm>>
    %dma_start3A_576 = arith.constant 0 : i32
    %dma_start3A_577 = arith.constant 0 : i32
    %dma_start3A_578 = tpu.memref_slice %dma_start3A_575[%dma_start3A_576, %dma_start3A_577] : memref<8192x128xf32, #tpu.memory_space<hbm>> -> memref<8192x128xf32, #tpu.memory_space<hbm>>
    tpu.enqueue_indirect_dma source(%dma_start3A_578 : memref<8192x128xf32, #tpu.memory_space<hbm>>) target(%dma_start3A_569 : memref<128x128xf32, #tpu.memory_space<vmem>>) offsets(%dma_start3A_571 : memref<128xi32, #tpu.memory_space<vmem>>) semaphore(%arg7 : memref<!tpu.dma_semaphore, #tpu.memory_space<semaphore_mem>>)
    %dma_wait3A_579 = arith.constant 3 : i32
    %dma_wait3A_580 = arith.constant 0 : i32
    %dma_wait3A_581 = arith.constant 0 : i32
    %dma_wait3A_582 = tpu.memref_slice %arg6[%dma_wait3A_579, %dma_wait3A_580, %dma_wait3A_581] : memref<6x128x128xf32, #tpu.memory_space<vmem>> -> memref<1x128x128xf32, #tpu.memory_space<vmem>>
    %dma_wait3A_583 = tpu.memref_squeeze %dma_wait3A_582 : memref<1x128x128xf32, #tpu.memory_space<vmem>> -> memref<128x128xf32, #tpu.memory_space<vmem>>
    %dma_wait3A_584 = arith.constant 1152 : i32
    %dma_wait3A_585 = tpu.memref_slice %arg5[%dma_wait3A_584] : memref<2048xi32, #tpu.memory_space<vmem>> -> memref<128xi32, #tpu.memory_space<vmem>>
    %dma_wait3A_586 = arith.constant 0 : i32
    %dma_wait3A_587 = arith.constant 0 : i32
    %dma_wait3A_588 = tpu.memref_slice %arg2[%add3A, %dma_wait3A_586, %dma_wait3A_587] : memref<32x8192x128xf32, #tpu.memory_space<hbm>> -> memref<1x8192x128xf32, #tpu.memory_space<hbm>>
    %dma_wait3A_589 = tpu.memref_squeeze %dma_wait3A_588 : memref<1x8192x128xf32, #tpu.memory_space<hbm>> -> memref<8192x128xf32, #tpu.memory_space<hbm>>
    %dma_wait3A_590 = arith.constant 0 : i32
    %dma_wait3A_591 = arith.constant 0 : i32
    %dma_wait3A_592 = tpu.memref_slice %dma_wait3A_589[%dma_wait3A_590, %dma_wait3A_591] : memref<8192x128xf32, #tpu.memory_space<hbm>> -> memref<8192x128xf32, #tpu.memory_space<hbm>>
    tpu.wait_indirect_dma semaphore(%arg10 : memref<!tpu.dma_semaphore, #tpu.memory_space<semaphore_mem>>) src(%dma_wait3A_592 : memref<8192x128xf32, #tpu.memory_space<hbm>>) dst(%dma_wait3A_583 : memref<128x128xf32, #tpu.memory_space<vmem>>)
    %dma_start3A_593 = arith.constant 3 : i32
    %dma_start3A_594 = arith.constant 0 : i32
    %dma_start3A_595 = arith.constant 0 : i32
    %dma_start3A_596 = tpu.memref_slice %arg6[%dma_start3A_593, %dma_start3A_594, %dma_start3A_595] : memref<6x128x128xf32, #tpu.memory_space<vmem>> -> memref<1x128x128xf32, #tpu.memory_space<vmem>>
    %dma_start3A_597 = tpu.memref_squeeze %dma_start3A_596 : memref<1x128x128xf32, #tpu.memory_space<vmem>> -> memref<128x128xf32, #tpu.memory_space<vmem>>
    %dma_start3A_598 = arith.constant 1152 : i32
    %dma_start3A_599 = arith.constant 0 : i32
    %dma_start3A_600 = tpu.memref_slice %arg4[%add3A, %dma_start3A_598, %dma_start3A_599] : memref<32x2048x128xf32, #tpu.memory_space<hbm>> -> memref<1x128x128xf32, #tpu.memory_space<hbm>>
    %dma_start3A_601 = tpu.memref_squeeze %dma_start3A_600 : memref<1x128x128xf32, #tpu.memory_space<hbm>> -> memref<128x128xf32, #tpu.memory_space<hbm>>
    %dma_start3A_602 = arith.constant 1152 : i32
    %dma_start3A_603 = arith.constant 0 : i32
    %dma_start3A_604 = tpu.memref_slice %arg4[%add3A, %dma_start3A_602, %dma_start3A_603] : memref<32x2048x128xf32, #tpu.memory_space<hbm>> -> memref<1x128x128xf32, #tpu.memory_space<hbm>>
    %dma_start3A_605 = tpu.memref_squeeze %dma_start3A_604 : memref<1x128x128xf32, #tpu.memory_space<hbm>> -> memref<128x128xf32, #tpu.memory_space<hbm>>
    %dma_start3A_606 = arith.constant 0 : i32
    %dma_start3A_607 = arith.constant 0 : i32
    %dma_start3A_608 = tpu.memref_slice %arg6[%dma_start3A_593, %dma_start3A_606, %dma_start3A_607] : memref<6x128x128xf32, #tpu.memory_space<vmem>> -> memref<1x128x128xf32, #tpu.memory_space<vmem>>
    %dma_start3A_609 = tpu.memref_squeeze %dma_start3A_608 : memref<1x128x128xf32, #tpu.memory_space<vmem>> -> memref<128x128xf32, #tpu.memory_space<vmem>>
    tpu.enqueue_dma source(%dma_start3A_609 : memref<128x128xf32, #tpu.memory_space<vmem>>) target(%dma_start3A_605 : memref<128x128xf32, #tpu.memory_space<hbm>>) target_semaphore(%arg16 : memref<!tpu.dma_semaphore, #tpu.memory_space<semaphore_mem>>)
    %dma_wait3A_610 = arith.constant 1 : i32
    %dma_wait3A_611 = arith.constant 0 : i32
    %dma_wait3A_612 = arith.constant 0 : i32
    %dma_wait3A_613 = tpu.memref_slice %arg6[%dma_wait3A_610, %dma_wait3A_611, %dma_wait3A_612] : memref<6x128x128xf32, #tpu.memory_space<vmem>> -> memref<1x128x128xf32, #tpu.memory_space<vmem>>
    %dma_wait3A_614 = tpu.memref_squeeze %dma_wait3A_613 : memref<1x128x128xf32, #tpu.memory_space<vmem>> -> memref<128x128xf32, #tpu.memory_space<vmem>>
    %dma_wait3A_615 = arith.constant 896 : i32
    %dma_wait3A_616 = arith.constant 0 : i32
    %dma_wait3A_617 = tpu.memref_slice %arg4[%add3A, %dma_wait3A_615, %dma_wait3A_616] : memref<32x2048x128xf32, #tpu.memory_space<hbm>> -> memref<1x128x128xf32, #tpu.memory_space<hbm>>
    %dma_wait3A_618 = tpu.memref_squeeze %dma_wait3A_617 : memref<1x128x128xf32, #tpu.memory_space<hbm>> -> memref<128x128xf32, #tpu.memory_space<hbm>>
    %dma_wait3A_619 = arith.constant 896 : i32
    %dma_wait3A_620 = arith.constant 0 : i32
    %dma_wait3A_621 = tpu.memref_slice %arg4[%add3A, %dma_wait3A_619, %dma_wait3A_620] : memref<32x2048x128xf32, #tpu.memory_space<hbm>> -> memref<1x128x128xf32, #tpu.memory_space<hbm>>
    %dma_wait3A_622 = tpu.memref_squeeze %dma_wait3A_621 : memref<1x128x128xf32, #tpu.memory_space<hbm>> -> memref<128x128xf32, #tpu.memory_space<hbm>>
    %dma_wait3A_623 = arith.constant 0 : i32
    %dma_wait3A_624 = arith.constant 0 : i32
    %dma_wait3A_625 = tpu.memref_slice %arg6[%dma_wait3A_610, %dma_wait3A_623, %dma_wait3A_624] : memref<6x128x128xf32, #tpu.memory_space<vmem>> -> memref<1x128x128xf32, #tpu.memory_space<vmem>>
    %dma_wait3A_626 = tpu.memref_squeeze %dma_wait3A_625 : memref<1x128x128xf32, #tpu.memory_space<vmem>> -> memref<128x128xf32, #tpu.memory_space<vmem>>
    tpu.wait_dma2 semaphore(%arg14 : memref<!tpu.dma_semaphore, #tpu.memory_space<semaphore_mem>>) src(%dma_wait3A_626 : memref<128x128xf32, #tpu.memory_space<vmem>>) dst(%dma_wait3A_622 : memref<128x128xf32, #tpu.memory_space<hbm>>)
    %dma_start3A_627 = arith.constant 1 : i32
    %dma_start3A_628 = arith.constant 0 : i32
    %dma_start3A_629 = arith.constant 0 : i32
    %dma_start3A_630 = tpu.memref_slice %arg6[%dma_start3A_627, %dma_start3A_628, %dma_start3A_629] : memref<6x128x128xf32, #tpu.memory_space<vmem>> -> memref<1x128x128xf32, #tpu.memory_space<vmem>>
    %dma_start3A_631 = tpu.memref_squeeze %dma_start3A_630 : memref<1x128x128xf32, #tpu.memory_space<vmem>> -> memref<128x128xf32, #tpu.memory_space<vmem>>
    %dma_start3A_632 = arith.constant 1664 : i32
    %dma_start3A_633 = tpu.memref_slice %arg5[%dma_start3A_632] : memref<2048xi32, #tpu.memory_space<vmem>> -> memref<128xi32, #tpu.memory_space<vmem>>
    %dma_start3A_634 = arith.constant 0 : i32
    %dma_start3A_635 = arith.constant 0 : i32
    %dma_start3A_636 = tpu.memref_slice %arg2[%add3A, %dma_start3A_634, %dma_start3A_635] : memref<32x8192x128xf32, #tpu.memory_space<hbm>> -> memref<1x8192x128xf32, #tpu.memory_space<hbm>>
    %dma_start3A_637 = tpu.memref_squeeze %dma_start3A_636 : memref<1x8192x128xf32, #tpu.memory_space<hbm>> -> memref<8192x128xf32, #tpu.memory_space<hbm>>
    %dma_start3A_638 = arith.constant 0 : i32
    %dma_start3A_639 = arith.constant 0 : i32
    %dma_start3A_640 = tpu.memref_slice %dma_start3A_637[%dma_start3A_638, %dma_start3A_639] : memref<8192x128xf32, #tpu.memory_space<hbm>> -> memref<8192x128xf32, #tpu.memory_space<hbm>>
    tpu.enqueue_indirect_dma source(%dma_start3A_640 : memref<8192x128xf32, #tpu.memory_space<hbm>>) target(%dma_start3A_631 : memref<128x128xf32, #tpu.memory_space<vmem>>) offsets(%dma_start3A_633 : memref<128xi32, #tpu.memory_space<vmem>>) semaphore(%arg8 : memref<!tpu.dma_semaphore, #tpu.memory_space<semaphore_mem>>)
    %dma_wait3A_641 = arith.constant 4 : i32
    %dma_wait3A_642 = arith.constant 0 : i32
    %dma_wait3A_643 = arith.constant 0 : i32
    %dma_wait3A_644 = tpu.memref_slice %arg6[%dma_wait3A_641, %dma_wait3A_642, %dma_wait3A_643] : memref<6x128x128xf32, #tpu.memory_space<vmem>> -> memref<1x128x128xf32, #tpu.memory_space<vmem>>
    %dma_wait3A_645 = tpu.memref_squeeze %dma_wait3A_644 : memref<1x128x128xf32, #tpu.memory_space<vmem>> -> memref<128x128xf32, #tpu.memory_space<vmem>>
    %dma_wait3A_646 = arith.constant 1280 : i32
    %dma_wait3A_647 = tpu.memref_slice %arg5[%dma_wait3A_646] : memref<2048xi32, #tpu.memory_space<vmem>> -> memref<128xi32, #tpu.memory_space<vmem>>
    %dma_wait3A_648 = arith.constant 0 : i32
    %dma_wait3A_649 = arith.constant 0 : i32
    %dma_wait3A_650 = tpu.memref_slice %arg2[%add3A, %dma_wait3A_648, %dma_wait3A_649] : memref<32x8192x128xf32, #tpu.memory_space<hbm>> -> memref<1x8192x128xf32, #tpu.memory_space<hbm>>
    %dma_wait3A_651 = tpu.memref_squeeze %dma_wait3A_650 : memref<1x8192x128xf32, #tpu.memory_space<hbm>> -> memref<8192x128xf32, #tpu.memory_space<hbm>>
    %dma_wait3A_652 = arith.constant 0 : i32
    %dma_wait3A_653 = arith.constant 0 : i32
    %dma_wait3A_654 = tpu.memref_slice %dma_wait3A_651[%dma_wait3A_652, %dma_wait3A_653] : memref<8192x128xf32, #tpu.memory_space<hbm>> -> memref<8192x128xf32, #tpu.memory_space<hbm>>
    tpu.wait_indirect_dma semaphore(%arg11 : memref<!tpu.dma_semaphore, #tpu.memory_space<semaphore_mem>>) src(%dma_wait3A_654 : memref<8192x128xf32, #tpu.memory_space<hbm>>) dst(%dma_wait3A_645 : memref<128x128xf32, #tpu.memory_space<vmem>>)
    %dma_start3A_655 = arith.constant 4 : i32
    %dma_start3A_656 = arith.constant 0 : i32
    %dma_start3A_657 = arith.constant 0 : i32
    %dma_start3A_658 = tpu.memref_slice %arg6[%dma_start3A_655, %dma_start3A_656, %dma_start3A_657] : memref<6x128x128xf32, #tpu.memory_space<vmem>> -> memref<1x128x128xf32, #tpu.memory_space<vmem>>
    %dma_start3A_659 = tpu.memref_squeeze %dma_start3A_658 : memref<1x128x128xf32, #tpu.memory_space<vmem>> -> memref<128x128xf32, #tpu.memory_space<vmem>>
    %dma_start3A_660 = arith.constant 1280 : i32
    %dma_start3A_661 = arith.constant 0 : i32
    %dma_start3A_662 = tpu.memref_slice %arg4[%add3A, %dma_start3A_660, %dma_start3A_661] : memref<32x2048x128xf32, #tpu.memory_space<hbm>> -> memref<1x128x128xf32, #tpu.memory_space<hbm>>
    %dma_start3A_663 = tpu.memref_squeeze %dma_start3A_662 : memref<1x128x128xf32, #tpu.memory_space<hbm>> -> memref<128x128xf32, #tpu.memory_space<hbm>>
    %dma_start3A_664 = arith.constant 1280 : i32
    %dma_start3A_665 = arith.constant 0 : i32
    %dma_start3A_666 = tpu.memref_slice %arg4[%add3A, %dma_start3A_664, %dma_start3A_665] : memref<32x2048x128xf32, #tpu.memory_space<hbm>> -> memref<1x128x128xf32, #tpu.memory_space<hbm>>
    %dma_start3A_667 = tpu.memref_squeeze %dma_start3A_666 : memref<1x128x128xf32, #tpu.memory_space<hbm>> -> memref<128x128xf32, #tpu.memory_space<hbm>>
    %dma_start3A_668 = arith.constant 0 : i32
    %dma_start3A_669 = arith.constant 0 : i32
    %dma_start3A_670 = tpu.memref_slice %arg6[%dma_start3A_655, %dma_start3A_668, %dma_start3A_669] : memref<6x128x128xf32, #tpu.memory_space<vmem>> -> memref<1x128x128xf32, #tpu.memory_space<vmem>>
    %dma_start3A_671 = tpu.memref_squeeze %dma_start3A_670 : memref<1x128x128xf32, #tpu.memory_space<vmem>> -> memref<128x128xf32, #tpu.memory_space<vmem>>
    tpu.enqueue_dma source(%dma_start3A_671 : memref<128x128xf32, #tpu.memory_space<vmem>>) target(%dma_start3A_667 : memref<128x128xf32, #tpu.memory_space<hbm>>) target_semaphore(%arg17 : memref<!tpu.dma_semaphore, #tpu.memory_space<semaphore_mem>>)
    %dma_wait3A_672 = arith.constant 2 : i32
    %dma_wait3A_673 = arith.constant 0 : i32
    %dma_wait3A_674 = arith.constant 0 : i32
    %dma_wait3A_675 = tpu.memref_slice %arg6[%dma_wait3A_672, %dma_wait3A_673, %dma_wait3A_674] : memref<6x128x128xf32, #tpu.memory_space<vmem>> -> memref<1x128x128xf32, #tpu.memory_space<vmem>>
    %dma_wait3A_676 = tpu.memref_squeeze %dma_wait3A_675 : memref<1x128x128xf32, #tpu.memory_space<vmem>> -> memref<128x128xf32, #tpu.memory_space<vmem>>
    %dma_wait3A_677 = arith.constant 1024 : i32
    %dma_wait3A_678 = arith.constant 0 : i32
    %dma_wait3A_679 = tpu.memref_slice %arg4[%add3A, %dma_wait3A_677, %dma_wait3A_678] : memref<32x2048x128xf32, #tpu.memory_space<hbm>> -> memref<1x128x128xf32, #tpu.memory_space<hbm>>
    %dma_wait3A_680 = tpu.memref_squeeze %dma_wait3A_679 : memref<1x128x128xf32, #tpu.memory_space<hbm>> -> memref<128x128xf32, #tpu.memory_space<hbm>>
    %dma_wait3A_681 = arith.constant 1024 : i32
    %dma_wait3A_682 = arith.constant 0 : i32
    %dma_wait3A_683 = tpu.memref_slice %arg4[%add3A, %dma_wait3A_681, %dma_wait3A_682] : memref<32x2048x128xf32, #tpu.memory_space<hbm>> -> memref<1x128x128xf32, #tpu.memory_space<hbm>>
    %dma_wait3A_684 = tpu.memref_squeeze %dma_wait3A_683 : memref<1x128x128xf32, #tpu.memory_space<hbm>> -> memref<128x128xf32, #tpu.memory_space<hbm>>
    %dma_wait3A_685 = arith.constant 0 : i32
    %dma_wait3A_686 = arith.constant 0 : i32
    %dma_wait3A_687 = tpu.memref_slice %arg6[%dma_wait3A_672, %dma_wait3A_685, %dma_wait3A_686] : memref<6x128x128xf32, #tpu.memory_space<vmem>> -> memref<1x128x128xf32, #tpu.memory_space<vmem>>
    %dma_wait3A_688 = tpu.memref_squeeze %dma_wait3A_687 : memref<1x128x128xf32, #tpu.memory_space<vmem>> -> memref<128x128xf32, #tpu.memory_space<vmem>>
    tpu.wait_dma2 semaphore(%arg15 : memref<!tpu.dma_semaphore, #tpu.memory_space<semaphore_mem>>) src(%dma_wait3A_688 : memref<128x128xf32, #tpu.memory_space<vmem>>) dst(%dma_wait3A_684 : memref<128x128xf32, #tpu.memory_space<hbm>>)
    %dma_start3A_689 = arith.constant 2 : i32
    %dma_start3A_690 = arith.constant 0 : i32
    %dma_start3A_691 = arith.constant 0 : i32
    %dma_start3A_692 = tpu.memref_slice %arg6[%dma_start3A_689, %dma_start3A_690, %dma_start3A_691] : memref<6x128x128xf32, #tpu.memory_space<vmem>> -> memref<1x128x128xf32, #tpu.memory_space<vmem>>
    %dma_start3A_693 = tpu.memref_squeeze %dma_start3A_692 : memref<1x128x128xf32, #tpu.memory_space<vmem>> -> memref<128x128xf32, #tpu.memory_space<vmem>>
    %dma_start3A_694 = arith.constant 1792 : i32
    %dma_start3A_695 = tpu.memref_slice %arg5[%dma_start3A_694] : memref<2048xi32, #tpu.memory_space<vmem>> -> memref<128xi32, #tpu.memory_space<vmem>>
    %dma_start3A_696 = arith.constant 0 : i32
    %dma_start3A_697 = arith.constant 0 : i32
    %dma_start3A_698 = tpu.memref_slice %arg2[%add3A, %dma_start3A_696, %dma_start3A_697] : memref<32x8192x128xf32, #tpu.memory_space<hbm>> -> memref<1x8192x128xf32, #tpu.memory_space<hbm>>
    %dma_start3A_699 = tpu.memref_squeeze %dma_start3A_698 : memref<1x8192x128xf32, #tpu.memory_space<hbm>> -> memref<8192x128xf32, #tpu.memory_space<hbm>>
    %dma_start3A_700 = arith.constant 0 : i32
    %dma_start3A_701 = arith.constant 0 : i32
    %dma_start3A_702 = tpu.memref_slice %dma_start3A_699[%dma_start3A_700, %dma_start3A_701] : memref<8192x128xf32, #tpu.memory_space<hbm>> -> memref<8192x128xf32, #tpu.memory_space<hbm>>
    tpu.enqueue_indirect_dma source(%dma_start3A_702 : memref<8192x128xf32, #tpu.memory_space<hbm>>) target(%dma_start3A_693 : memref<128x128xf32, #tpu.memory_space<vmem>>) offsets(%dma_start3A_695 : memref<128xi32, #tpu.memory_space<vmem>>) semaphore(%arg9 : memref<!tpu.dma_semaphore, #tpu.memory_space<semaphore_mem>>)
    %dma_wait3A_703 = arith.constant 5 : i32
    %dma_wait3A_704 = arith.constant 0 : i32
    %dma_wait3A_705 = arith.constant 0 : i32
    %dma_wait3A_706 = tpu.memref_slice %arg6[%dma_wait3A_703, %dma_wait3A_704, %dma_wait3A_705] : memref<6x128x128xf32, #tpu.memory_space<vmem>> -> memref<1x128x128xf32, #tpu.memory_space<vmem>>
    %dma_wait3A_707 = tpu.memref_squeeze %dma_wait3A_706 : memref<1x128x128xf32, #tpu.memory_space<vmem>> -> memref<128x128xf32, #tpu.memory_space<vmem>>
    %dma_wait3A_708 = arith.constant 1408 : i32
    %dma_wait3A_709 = tpu.memref_slice %arg5[%dma_wait3A_708] : memref<2048xi32, #tpu.memory_space<vmem>> -> memref<128xi32, #tpu.memory_space<vmem>>
    %dma_wait3A_710 = arith.constant 0 : i32
    %dma_wait3A_711 = arith.constant 0 : i32
    %dma_wait3A_712 = tpu.memref_slice %arg2[%add3A, %dma_wait3A_710, %dma_wait3A_711] : memref<32x8192x128xf32, #tpu.memory_space<hbm>> -> memref<1x8192x128xf32, #tpu.memory_space<hbm>>
    %dma_wait3A_713 = tpu.memref_squeeze %dma_wait3A_712 : memref<1x8192x128xf32, #tpu.memory_space<hbm>> -> memref<8192x128xf32, #tpu.memory_space<hbm>>
    %dma_wait3A_714 = arith.constant 0 : i32
    %dma_wait3A_715 = arith.constant 0 : i32
    %dma_wait3A_716 = tpu.memref_slice %dma_wait3A_713[%dma_wait3A_714, %dma_wait3A_715] : memref<8192x128xf32, #tpu.memory_space<hbm>> -> memref<8192x128xf32, #tpu.memory_space<hbm>>
    tpu.wait_indirect_dma semaphore(%arg12 : memref<!tpu.dma_semaphore, #tpu.memory_space<semaphore_mem>>) src(%dma_wait3A_716 : memref<8192x128xf32, #tpu.memory_space<hbm>>) dst(%dma_wait3A_707 : memref<128x128xf32, #tpu.memory_space<vmem>>)
    %dma_start3A_717 = arith.constant 5 : i32
    %dma_start3A_718 = arith.constant 0 : i32
    %dma_start3A_719 = arith.constant 0 : i32
    %dma_start3A_720 = tpu.memref_slice %arg6[%dma_start3A_717, %dma_start3A_718, %dma_start3A_719] : memref<6x128x128xf32, #tpu.memory_space<vmem>> -> memref<1x128x128xf32, #tpu.memory_space<vmem>>
    %dma_start3A_721 = tpu.memref_squeeze %dma_start3A_720 : memref<1x128x128xf32, #tpu.memory_space<vmem>> -> memref<128x128xf32, #tpu.memory_space<vmem>>
    %dma_start3A_722 = arith.constant 1408 : i32
    %dma_start3A_723 = arith.constant 0 : i32
    %dma_start3A_724 = tpu.memref_slice %arg4[%add3A, %dma_start3A_722, %dma_start3A_723] : memref<32x2048x128xf32, #tpu.memory_space<hbm>> -> memref<1x128x128xf32, #tpu.memory_space<hbm>>
    %dma_start3A_725 = tpu.memref_squeeze %dma_start3A_724 : memref<1x128x128xf32, #tpu.memory_space<hbm>> -> memref<128x128xf32, #tpu.memory_space<hbm>>
    %dma_start3A_726 = arith.constant 1408 : i32
    %dma_start3A_727 = arith.constant 0 : i32
    %dma_start3A_728 = tpu.memref_slice %arg4[%add3A, %dma_start3A_726, %dma_start3A_727] : memref<32x2048x128xf32, #tpu.memory_space<hbm>> -> memref<1x128x128xf32, #tpu.memory_space<hbm>>
    %dma_start3A_729 = tpu.memref_squeeze %dma_start3A_728 : memref<1x128x128xf32, #tpu.memory_space<hbm>> -> memref<128x128xf32, #tpu.memory_space<hbm>>
    %dma_start3A_730 = arith.constant 0 : i32
    %dma_start3A_731 = arith.constant 0 : i32
    %dma_start3A_732 = tpu.memref_slice %arg6[%dma_start3A_717, %dma_start3A_730, %dma_start3A_731] : memref<6x128x128xf32, #tpu.memory_space<vmem>> -> memref<1x128x128xf32, #tpu.memory_space<vmem>>
    %dma_start3A_733 = tpu.memref_squeeze %dma_start3A_732 : memref<1x128x128xf32, #tpu.memory_space<vmem>> -> memref<128x128xf32, #tpu.memory_space<vmem>>
    tpu.enqueue_dma source(%dma_start3A_733 : memref<128x128xf32, #tpu.memory_space<vmem>>) target(%dma_start3A_729 : memref<128x128xf32, #tpu.memory_space<hbm>>) target_semaphore(%arg18 : memref<!tpu.dma_semaphore, #tpu.memory_space<semaphore_mem>>)
    %dma_wait3A_734 = arith.constant 3 : i32
    %dma_wait3A_735 = arith.constant 0 : i32
    %dma_wait3A_736 = arith.constant 0 : i32
    %dma_wait3A_737 = tpu.memref_slice %arg6[%dma_wait3A_734, %dma_wait3A_735, %dma_wait3A_736] : memref<6x128x128xf32, #tpu.memory_space<vmem>> -> memref<1x128x128xf32, #tpu.memory_space<vmem>>
    %dma_wait3A_738 = tpu.memref_squeeze %dma_wait3A_737 : memref<1x128x128xf32, #tpu.memory_space<vmem>> -> memref<128x128xf32, #tpu.memory_space<vmem>>
    %dma_wait3A_739 = arith.constant 1152 : i32
    %dma_wait3A_740 = arith.constant 0 : i32
    %dma_wait3A_741 = tpu.memref_slice %arg4[%add3A, %dma_wait3A_739, %dma_wait3A_740] : memref<32x2048x128xf32, #tpu.memory_space<hbm>> -> memref<1x128x128xf32, #tpu.memory_space<hbm>>
    %dma_wait3A_742 = tpu.memref_squeeze %dma_wait3A_741 : memref<1x128x128xf32, #tpu.memory_space<hbm>> -> memref<128x128xf32, #tpu.memory_space<hbm>>
    %dma_wait3A_743 = arith.constant 1152 : i32
    %dma_wait3A_744 = arith.constant 0 : i32
    %dma_wait3A_745 = tpu.memref_slice %arg4[%add3A, %dma_wait3A_743, %dma_wait3A_744] : memref<32x2048x128xf32, #tpu.memory_space<hbm>> -> memref<1x128x128xf32, #tpu.memory_space<hbm>>
    %dma_wait3A_746 = tpu.memref_squeeze %dma_wait3A_745 : memref<1x128x128xf32, #tpu.memory_space<hbm>> -> memref<128x128xf32, #tpu.memory_space<hbm>>
    %dma_wait3A_747 = arith.constant 0 : i32
    %dma_wait3A_748 = arith.constant 0 : i32
    %dma_wait3A_749 = tpu.memref_slice %arg6[%dma_wait3A_734, %dma_wait3A_747, %dma_wait3A_748] : memref<6x128x128xf32, #tpu.memory_space<vmem>> -> memref<1x128x128xf32, #tpu.memory_space<vmem>>
    %dma_wait3A_750 = tpu.memref_squeeze %dma_wait3A_749 : memref<1x128x128xf32, #tpu.memory_space<vmem>> -> memref<128x128xf32, #tpu.memory_space<vmem>>
    tpu.wait_dma2 semaphore(%arg16 : memref<!tpu.dma_semaphore, #tpu.memory_space<semaphore_mem>>) src(%dma_wait3A_750 : memref<128x128xf32, #tpu.memory_space<vmem>>) dst(%dma_wait3A_746 : memref<128x128xf32, #tpu.memory_space<hbm>>)
    %dma_start3A_751 = arith.constant 3 : i32
    %dma_start3A_752 = arith.constant 0 : i32
    %dma_start3A_753 = arith.constant 0 : i32
    %dma_start3A_754 = tpu.memref_slice %arg6[%dma_start3A_751, %dma_start3A_752, %dma_start3A_753] : memref<6x128x128xf32, #tpu.memory_space<vmem>> -> memref<1x128x128xf32, #tpu.memory_space<vmem>>
    %dma_start3A_755 = tpu.memref_squeeze %dma_start3A_754 : memref<1x128x128xf32, #tpu.memory_space<vmem>> -> memref<128x128xf32, #tpu.memory_space<vmem>>
    %dma_start3A_756 = arith.constant 1920 : i32
    %dma_start3A_757 = tpu.memref_slice %arg5[%dma_start3A_756] : memref<2048xi32, #tpu.memory_space<vmem>> -> memref<128xi32, #tpu.memory_space<vmem>>
    %dma_start3A_758 = arith.constant 0 : i32
    %dma_start3A_759 = arith.constant 0 : i32
    %dma_start3A_760 = tpu.memref_slice %arg2[%add3A, %dma_start3A_758, %dma_start3A_759] : memref<32x8192x128xf32, #tpu.memory_space<hbm>> -> memref<1x8192x128xf32, #tpu.memory_space<hbm>>
    %dma_start3A_761 = tpu.memref_squeeze %dma_start3A_760 : memref<1x8192x128xf32, #tpu.memory_space<hbm>> -> memref<8192x128xf32, #tpu.memory_space<hbm>>
    %dma_start3A_762 = arith.constant 0 : i32
    %dma_start3A_763 = arith.constant 0 : i32
    %dma_start3A_764 = tpu.memref_slice %dma_start3A_761[%dma_start3A_762, %dma_start3A_763] : memref<8192x128xf32, #tpu.memory_space<hbm>> -> memref<8192x128xf32, #tpu.memory_space<hbm>>
    tpu.enqueue_indirect_dma source(%dma_start3A_764 : memref<8192x128xf32, #tpu.memory_space<hbm>>) target(%dma_start3A_755 : memref<128x128xf32, #tpu.memory_space<vmem>>) offsets(%dma_start3A_757 : memref<128xi32, #tpu.memory_space<vmem>>) semaphore(%arg10 : memref<!tpu.dma_semaphore, #tpu.memory_space<semaphore_mem>>)
    %dma_wait3A_765 = arith.constant 0 : i32
    %dma_wait3A_766 = arith.constant 0 : i32
    %dma_wait3A_767 = arith.constant 0 : i32
    %dma_wait3A_768 = tpu.memref_slice %arg6[%dma_wait3A_765, %dma_wait3A_766, %dma_wait3A_767] : memref<6x128x128xf32, #tpu.memory_space<vmem>> -> memref<1x128x128xf32, #tpu.memory_space<vmem>>
    %dma_wait3A_769 = tpu.memref_squeeze %dma_wait3A_768 : memref<1x128x128xf32, #tpu.memory_space<vmem>> -> memref<128x128xf32, #tpu.memory_space<vmem>>
    %dma_wait3A_770 = arith.constant 1536 : i32
    %dma_wait3A_771 = tpu.memref_slice %arg5[%dma_wait3A_770] : memref<2048xi32, #tpu.memory_space<vmem>> -> memref<128xi32, #tpu.memory_space<vmem>>
    %dma_wait3A_772 = arith.constant 0 : i32
    %dma_wait3A_773 = arith.constant 0 : i32
    %dma_wait3A_774 = tpu.memref_slice %arg2[%add3A, %dma_wait3A_772, %dma_wait3A_773] : memref<32x8192x128xf32, #tpu.memory_space<hbm>> -> memref<1x8192x128xf32, #tpu.memory_space<hbm>>
    %dma_wait3A_775 = tpu.memref_squeeze %dma_wait3A_774 : memref<1x8192x128xf32, #tpu.memory_space<hbm>> -> memref<8192x128xf32, #tpu.memory_space<hbm>>
    %dma_wait3A_776 = arith.constant 0 : i32
    %dma_wait3A_777 = arith.constant 0 : i32
    %dma_wait3A_778 = tpu.memref_slice %dma_wait3A_775[%dma_wait3A_776, %dma_wait3A_777] : memref<8192x128xf32, #tpu.memory_space<hbm>> -> memref<8192x128xf32, #tpu.memory_space<hbm>>
    tpu.wait_indirect_dma semaphore(%arg7 : memref<!tpu.dma_semaphore, #tpu.memory_space<semaphore_mem>>) src(%dma_wait3A_778 : memref<8192x128xf32, #tpu.memory_space<hbm>>) dst(%dma_wait3A_769 : memref<128x128xf32, #tpu.memory_space<vmem>>)
    %dma_start3A_779 = arith.constant 0 : i32
    %dma_start3A_780 = arith.constant 0 : i32
    %dma_start3A_781 = arith.constant 0 : i32
    %dma_start3A_782 = tpu.memref_slice %arg6[%dma_start3A_779, %dma_start3A_780, %dma_start3A_781] : memref<6x128x128xf32, #tpu.memory_space<vmem>> -> memref<1x128x128xf32, #tpu.memory_space<vmem>>
    %dma_start3A_783 = tpu.memref_squeeze %dma_start3A_782 : memref<1x128x128xf32, #tpu.memory_space<vmem>> -> memref<128x128xf32, #tpu.memory_space<vmem>>
    %dma_start3A_784 = arith.constant 1536 : i32
    %dma_start3A_785 = arith.constant 0 : i32
    %dma_start3A_786 = tpu.memref_slice %arg4[%add3A, %dma_start3A_784, %dma_start3A_785] : memref<32x2048x128xf32, #tpu.memory_space<hbm>> -> memref<1x128x128xf32, #tpu.memory_space<hbm>>
    %dma_start3A_787 = tpu.memref_squeeze %dma_start3A_786 : memref<1x128x128xf32, #tpu.memory_space<hbm>> -> memref<128x128xf32, #tpu.memory_space<hbm>>
    %dma_start3A_788 = arith.constant 1536 : i32
    %dma_start3A_789 = arith.constant 0 : i32
    %dma_start3A_790 = tpu.memref_slice %arg4[%add3A, %dma_start3A_788, %dma_start3A_789] : memref<32x2048x128xf32, #tpu.memory_space<hbm>> -> memref<1x128x128xf32, #tpu.memory_space<hbm>>
    %dma_start3A_791 = tpu.memref_squeeze %dma_start3A_790 : memref<1x128x128xf32, #tpu.memory_space<hbm>> -> memref<128x128xf32, #tpu.memory_space<hbm>>
    %dma_start3A_792 = arith.constant 0 : i32
    %dma_start3A_793 = arith.constant 0 : i32
    %dma_start3A_794 = tpu.memref_slice %arg6[%dma_start3A_779, %dma_start3A_792, %dma_start3A_793] : memref<6x128x128xf32, #tpu.memory_space<vmem>> -> memref<1x128x128xf32, #tpu.memory_space<vmem>>
    %dma_start3A_795 = tpu.memref_squeeze %dma_start3A_794 : memref<1x128x128xf32, #tpu.memory_space<vmem>> -> memref<128x128xf32, #tpu.memory_space<vmem>>
    tpu.enqueue_dma source(%dma_start3A_795 : memref<128x128xf32, #tpu.memory_space<vmem>>) target(%dma_start3A_791 : memref<128x128xf32, #tpu.memory_space<hbm>>) target_semaphore(%arg13 : memref<!tpu.dma_semaphore, #tpu.memory_space<semaphore_mem>>)
    %dma_wait3A_796 = arith.constant 1 : i32
    %dma_wait3A_797 = arith.constant 0 : i32
    %dma_wait3A_798 = arith.constant 0 : i32
    %dma_wait3A_799 = tpu.memref_slice %arg6[%dma_wait3A_796, %dma_wait3A_797, %dma_wait3A_798] : memref<6x128x128xf32, #tpu.memory_space<vmem>> -> memref<1x128x128xf32, #tpu.memory_space<vmem>>
    %dma_wait3A_800 = tpu.memref_squeeze %dma_wait3A_799 : memref<1x128x128xf32, #tpu.memory_space<vmem>> -> memref<128x128xf32, #tpu.memory_space<vmem>>
    %dma_wait3A_801 = arith.constant 1664 : i32
    %dma_wait3A_802 = tpu.memref_slice %arg5[%dma_wait3A_801] : memref<2048xi32, #tpu.memory_space<vmem>> -> memref<128xi32, #tpu.memory_space<vmem>>
    %dma_wait3A_803 = arith.constant 0 : i32
    %dma_wait3A_804 = arith.constant 0 : i32
    %dma_wait3A_805 = tpu.memref_slice %arg2[%add3A, %dma_wait3A_803, %dma_wait3A_804] : memref<32x8192x128xf32, #tpu.memory_space<hbm>> -> memref<1x8192x128xf32, #tpu.memory_space<hbm>>
    %dma_wait3A_806 = tpu.memref_squeeze %dma_wait3A_805 : memref<1x8192x128xf32, #tpu.memory_space<hbm>> -> memref<8192x128xf32, #tpu.memory_space<hbm>>
    %dma_wait3A_807 = arith.constant 0 : i32
    %dma_wait3A_808 = arith.constant 0 : i32
    %dma_wait3A_809 = tpu.memref_slice %dma_wait3A_806[%dma_wait3A_807, %dma_wait3A_808] : memref<8192x128xf32, #tpu.memory_space<hbm>> -> memref<8192x128xf32, #tpu.memory_space<hbm>>
    tpu.wait_indirect_dma semaphore(%arg8 : memref<!tpu.dma_semaphore, #tpu.memory_space<semaphore_mem>>) src(%dma_wait3A_809 : memref<8192x128xf32, #tpu.memory_space<hbm>>) dst(%dma_wait3A_800 : memref<128x128xf32, #tpu.memory_space<vmem>>)
    %dma_start3A_810 = arith.constant 1 : i32
    %dma_start3A_811 = arith.constant 0 : i32
    %dma_start3A_812 = arith.constant 0 : i32
    %dma_start3A_813 = tpu.memref_slice %arg6[%dma_start3A_810, %dma_start3A_811, %dma_start3A_812] : memref<6x128x128xf32, #tpu.memory_space<vmem>> -> memref<1x128x128xf32, #tpu.memory_space<vmem>>
    %dma_start3A_814 = tpu.memref_squeeze %dma_start3A_813 : memref<1x128x128xf32, #tpu.memory_space<vmem>> -> memref<128x128xf32, #tpu.memory_space<vmem>>
    %dma_start3A_815 = arith.constant 1664 : i32
    %dma_start3A_816 = arith.constant 0 : i32
    %dma_start3A_817 = tpu.memref_slice %arg4[%add3A, %dma_start3A_815, %dma_start3A_816] : memref<32x2048x128xf32, #tpu.memory_space<hbm>> -> memref<1x128x128xf32, #tpu.memory_space<hbm>>
    %dma_start3A_818 = tpu.memref_squeeze %dma_start3A_817 : memref<1x128x128xf32, #tpu.memory_space<hbm>> -> memref<128x128xf32, #tpu.memory_space<hbm>>
    %dma_start3A_819 = arith.constant 1664 : i32
    %dma_start3A_820 = arith.constant 0 : i32
    %dma_start3A_821 = tpu.memref_slice %arg4[%add3A, %dma_start3A_819, %dma_start3A_820] : memref<32x2048x128xf32, #tpu.memory_space<hbm>> -> memref<1x128x128xf32, #tpu.memory_space<hbm>>
    %dma_start3A_822 = tpu.memref_squeeze %dma_start3A_821 : memref<1x128x128xf32, #tpu.memory_space<hbm>> -> memref<128x128xf32, #tpu.memory_space<hbm>>
    %dma_start3A_823 = arith.constant 0 : i32
    %dma_start3A_824 = arith.constant 0 : i32
    %dma_start3A_825 = tpu.memref_slice %arg6[%dma_start3A_810, %dma_start3A_823, %dma_start3A_824] : memref<6x128x128xf32, #tpu.memory_space<vmem>> -> memref<1x128x128xf32, #tpu.memory_space<vmem>>
    %dma_start3A_826 = tpu.memref_squeeze %dma_start3A_825 : memref<1x128x128xf32, #tpu.memory_space<vmem>> -> memref<128x128xf32, #tpu.memory_space<vmem>>
    tpu.enqueue_dma source(%dma_start3A_826 : memref<128x128xf32, #tpu.memory_space<vmem>>) target(%dma_start3A_822 : memref<128x128xf32, #tpu.memory_space<hbm>>) target_semaphore(%arg14 : memref<!tpu.dma_semaphore, #tpu.memory_space<semaphore_mem>>)
    %dma_wait3A_827 = arith.constant 2 : i32
    %dma_wait3A_828 = arith.constant 0 : i32
    %dma_wait3A_829 = arith.constant 0 : i32
    %dma_wait3A_830 = tpu.memref_slice %arg6[%dma_wait3A_827, %dma_wait3A_828, %dma_wait3A_829] : memref<6x128x128xf32, #tpu.memory_space<vmem>> -> memref<1x128x128xf32, #tpu.memory_space<vmem>>
    %dma_wait3A_831 = tpu.memref_squeeze %dma_wait3A_830 : memref<1x128x128xf32, #tpu.memory_space<vmem>> -> memref<128x128xf32, #tpu.memory_space<vmem>>
    %dma_wait3A_832 = arith.constant 1792 : i32
    %dma_wait3A_833 = tpu.memref_slice %arg5[%dma_wait3A_832] : memref<2048xi32, #tpu.memory_space<vmem>> -> memref<128xi32, #tpu.memory_space<vmem>>
    %dma_wait3A_834 = arith.constant 0 : i32
    %dma_wait3A_835 = arith.constant 0 : i32
    %dma_wait3A_836 = tpu.memref_slice %arg2[%add3A, %dma_wait3A_834, %dma_wait3A_835] : memref<32x8192x128xf32, #tpu.memory_space<hbm>> -> memref<1x8192x128xf32, #tpu.memory_space<hbm>>
    %dma_wait3A_837 = tpu.memref_squeeze %dma_wait3A_836 : memref<1x8192x128xf32, #tpu.memory_space<hbm>> -> memref<8192x128xf32, #tpu.memory_space<hbm>>
    %dma_wait3A_838 = arith.constant 0 : i32
    %dma_wait3A_839 = arith.constant 0 : i32
    %dma_wait3A_840 = tpu.memref_slice %dma_wait3A_837[%dma_wait3A_838, %dma_wait3A_839] : memref<8192x128xf32, #tpu.memory_space<hbm>> -> memref<8192x128xf32, #tpu.memory_space<hbm>>
    tpu.wait_indirect_dma semaphore(%arg9 : memref<!tpu.dma_semaphore, #tpu.memory_space<semaphore_mem>>) src(%dma_wait3A_840 : memref<8192x128xf32, #tpu.memory_space<hbm>>) dst(%dma_wait3A_831 : memref<128x128xf32, #tpu.memory_space<vmem>>)
    %dma_start3A_841 = arith.constant 2 : i32
    %dma_start3A_842 = arith.constant 0 : i32
    %dma_start3A_843 = arith.constant 0 : i32
    %dma_start3A_844 = tpu.memref_slice %arg6[%dma_start3A_841, %dma_start3A_842, %dma_start3A_843] : memref<6x128x128xf32, #tpu.memory_space<vmem>> -> memref<1x128x128xf32, #tpu.memory_space<vmem>>
    %dma_start3A_845 = tpu.memref_squeeze %dma_start3A_844 : memref<1x128x128xf32, #tpu.memory_space<vmem>> -> memref<128x128xf32, #tpu.memory_space<vmem>>
    %dma_start3A_846 = arith.constant 1792 : i32
    %dma_start3A_847 = arith.constant 0 : i32
    %dma_start3A_848 = tpu.memref_slice %arg4[%add3A, %dma_start3A_846, %dma_start3A_847] : memref<32x2048x128xf32, #tpu.memory_space<hbm>> -> memref<1x128x128xf32, #tpu.memory_space<hbm>>
    %dma_start3A_849 = tpu.memref_squeeze %dma_start3A_848 : memref<1x128x128xf32, #tpu.memory_space<hbm>> -> memref<128x128xf32, #tpu.memory_space<hbm>>
    %dma_start3A_850 = arith.constant 1792 : i32
    %dma_start3A_851 = arith.constant 0 : i32
    %dma_start3A_852 = tpu.memref_slice %arg4[%add3A, %dma_start3A_850, %dma_start3A_851] : memref<32x2048x128xf32, #tpu.memory_space<hbm>> -> memref<1x128x128xf32, #tpu.memory_space<hbm>>
    %dma_start3A_853 = tpu.memref_squeeze %dma_start3A_852 : memref<1x128x128xf32, #tpu.memory_space<hbm>> -> memref<128x128xf32, #tpu.memory_space<hbm>>
    %dma_start3A_854 = arith.constant 0 : i32
    %dma_start3A_855 = arith.constant 0 : i32
    %dma_start3A_856 = tpu.memref_slice %arg6[%dma_start3A_841, %dma_start3A_854, %dma_start3A_855] : memref<6x128x128xf32, #tpu.memory_space<vmem>> -> memref<1x128x128xf32, #tpu.memory_space<vmem>>
    %dma_start3A_857 = tpu.memref_squeeze %dma_start3A_856 : memref<1x128x128xf32, #tpu.memory_space<vmem>> -> memref<128x128xf32, #tpu.memory_space<vmem>>
    tpu.enqueue_dma source(%dma_start3A_857 : memref<128x128xf32, #tpu.memory_space<vmem>>) target(%dma_start3A_853 : memref<128x128xf32, #tpu.memory_space<hbm>>) target_semaphore(%arg15 : memref<!tpu.dma_semaphore, #tpu.memory_space<semaphore_mem>>)
    %dma_wait3A_858 = arith.constant 3 : i32
    %dma_wait3A_859 = arith.constant 0 : i32
    %dma_wait3A_860 = arith.constant 0 : i32
    %dma_wait3A_861 = tpu.memref_slice %arg6[%dma_wait3A_858, %dma_wait3A_859, %dma_wait3A_860] : memref<6x128x128xf32, #tpu.memory_space<vmem>> -> memref<1x128x128xf32, #tpu.memory_space<vmem>>
    %dma_wait3A_862 = tpu.memref_squeeze %dma_wait3A_861 : memref<1x128x128xf32, #tpu.memory_space<vmem>> -> memref<128x128xf32, #tpu.memory_space<vmem>>
    %dma_wait3A_863 = arith.constant 1920 : i32
    %dma_wait3A_864 = tpu.memref_slice %arg5[%dma_wait3A_863] : memref<2048xi32, #tpu.memory_space<vmem>> -> memref<128xi32, #tpu.memory_space<vmem>>
    %dma_wait3A_865 = arith.constant 0 : i32
    %dma_wait3A_866 = arith.constant 0 : i32
    %dma_wait3A_867 = tpu.memref_slice %arg2[%add3A, %dma_wait3A_865, %dma_wait3A_866] : memref<32x8192x128xf32, #tpu.memory_space<hbm>> -> memref<1x8192x128xf32, #tpu.memory_space<hbm>>
    %dma_wait3A_868 = tpu.memref_squeeze %dma_wait3A_867 : memref<1x8192x128xf32, #tpu.memory_space<hbm>> -> memref<8192x128xf32, #tpu.memory_space<hbm>>
    %dma_wait3A_869 = arith.constant 0 : i32
    %dma_wait3A_870 = arith.constant 0 : i32
    %dma_wait3A_871 = tpu.memref_slice %dma_wait3A_868[%dma_wait3A_869, %dma_wait3A_870] : memref<8192x128xf32, #tpu.memory_space<hbm>> -> memref<8192x128xf32, #tpu.memory_space<hbm>>
    tpu.wait_indirect_dma semaphore(%arg10 : memref<!tpu.dma_semaphore, #tpu.memory_space<semaphore_mem>>) src(%dma_wait3A_871 : memref<8192x128xf32, #tpu.memory_space<hbm>>) dst(%dma_wait3A_862 : memref<128x128xf32, #tpu.memory_space<vmem>>)
    %dma_start3A_872 = arith.constant 3 : i32
    %dma_start3A_873 = arith.constant 0 : i32
    %dma_start3A_874 = arith.constant 0 : i32
    %dma_start3A_875 = tpu.memref_slice %arg6[%dma_start3A_872, %dma_start3A_873, %dma_start3A_874] : memref<6x128x128xf32, #tpu.memory_space<vmem>> -> memref<1x128x128xf32, #tpu.memory_space<vmem>>
    %dma_start3A_876 = tpu.memref_squeeze %dma_start3A_875 : memref<1x128x128xf32, #tpu.memory_space<vmem>> -> memref<128x128xf32, #tpu.memory_space<vmem>>
    %dma_start3A_877 = arith.constant 1920 : i32
    %dma_start3A_878 = arith.constant 0 : i32
    %dma_start3A_879 = tpu.memref_slice %arg4[%add3A, %dma_start3A_877, %dma_start3A_878] : memref<32x2048x128xf32, #tpu.memory_space<hbm>> -> memref<1x128x128xf32, #tpu.memory_space<hbm>>
    %dma_start3A_880 = tpu.memref_squeeze %dma_start3A_879 : memref<1x128x128xf32, #tpu.memory_space<hbm>> -> memref<128x128xf32, #tpu.memory_space<hbm>>
    %dma_start3A_881 = arith.constant 1920 : i32
    %dma_start3A_882 = arith.constant 0 : i32
    %dma_start3A_883 = tpu.memref_slice %arg4[%add3A, %dma_start3A_881, %dma_start3A_882] : memref<32x2048x128xf32, #tpu.memory_space<hbm>> -> memref<1x128x128xf32, #tpu.memory_space<hbm>>
    %dma_start3A_884 = tpu.memref_squeeze %dma_start3A_883 : memref<1x128x128xf32, #tpu.memory_space<hbm>> -> memref<128x128xf32, #tpu.memory_space<hbm>>
    %dma_start3A_885 = arith.constant 0 : i32
    %dma_start3A_886 = arith.constant 0 : i32
    %dma_start3A_887 = tpu.memref_slice %arg6[%dma_start3A_872, %dma_start3A_885, %dma_start3A_886] : memref<6x128x128xf32, #tpu.memory_space<vmem>> -> memref<1x128x128xf32, #tpu.memory_space<vmem>>
    %dma_start3A_888 = tpu.memref_squeeze %dma_start3A_887 : memref<1x128x128xf32, #tpu.memory_space<vmem>> -> memref<128x128xf32, #tpu.memory_space<vmem>>
    tpu.enqueue_dma source(%dma_start3A_888 : memref<128x128xf32, #tpu.memory_space<vmem>>) target(%dma_start3A_884 : memref<128x128xf32, #tpu.memory_space<hbm>>) target_semaphore(%arg16 : memref<!tpu.dma_semaphore, #tpu.memory_space<semaphore_mem>>)
    %dma_wait3A_889 = arith.constant 4 : i32
    %dma_wait3A_890 = arith.constant 0 : i32
    %dma_wait3A_891 = arith.constant 0 : i32
    %dma_wait3A_892 = tpu.memref_slice %arg6[%dma_wait3A_889, %dma_wait3A_890, %dma_wait3A_891] : memref<6x128x128xf32, #tpu.memory_space<vmem>> -> memref<1x128x128xf32, #tpu.memory_space<vmem>>
    %dma_wait3A_893 = tpu.memref_squeeze %dma_wait3A_892 : memref<1x128x128xf32, #tpu.memory_space<vmem>> -> memref<128x128xf32, #tpu.memory_space<vmem>>
    %dma_wait3A_894 = arith.constant 1280 : i32
    %dma_wait3A_895 = arith.constant 0 : i32
    %dma_wait3A_896 = tpu.memref_slice %arg4[%add3A, %dma_wait3A_894, %dma_wait3A_895] : memref<32x2048x128xf32, #tpu.memory_space<hbm>> -> memref<1x128x128xf32, #tpu.memory_space<hbm>>
    %dma_wait3A_897 = tpu.memref_squeeze %dma_wait3A_896 : memref<1x128x128xf32, #tpu.memory_space<hbm>> -> memref<128x128xf32, #tpu.memory_space<hbm>>
    %dma_wait3A_898 = arith.constant 1280 : i32
    %dma_wait3A_899 = arith.constant 0 : i32
    %dma_wait3A_900 = tpu.memref_slice %arg4[%add3A, %dma_wait3A_898, %dma_wait3A_899] : memref<32x2048x128xf32, #tpu.memory_space<hbm>> -> memref<1x128x128xf32, #tpu.memory_space<hbm>>
    %dma_wait3A_901 = tpu.memref_squeeze %dma_wait3A_900 : memref<1x128x128xf32, #tpu.memory_space<hbm>> -> memref<128x128xf32, #tpu.memory_space<hbm>>
    %dma_wait3A_902 = arith.constant 0 : i32
    %dma_wait3A_903 = arith.constant 0 : i32
    %dma_wait3A_904 = tpu.memref_slice %arg6[%dma_wait3A_889, %dma_wait3A_902, %dma_wait3A_903] : memref<6x128x128xf32, #tpu.memory_space<vmem>> -> memref<1x128x128xf32, #tpu.memory_space<vmem>>
    %dma_wait3A_905 = tpu.memref_squeeze %dma_wait3A_904 : memref<1x128x128xf32, #tpu.memory_space<vmem>> -> memref<128x128xf32, #tpu.memory_space<vmem>>
    tpu.wait_dma2 semaphore(%arg17 : memref<!tpu.dma_semaphore, #tpu.memory_space<semaphore_mem>>) src(%dma_wait3A_905 : memref<128x128xf32, #tpu.memory_space<vmem>>) dst(%dma_wait3A_901 : memref<128x128xf32, #tpu.memory_space<hbm>>)
    %dma_wait3A_906 = arith.constant 5 : i32
    %dma_wait3A_907 = arith.constant 0 : i32
    %dma_wait3A_908 = arith.constant 0 : i32
    %dma_wait3A_909 = tpu.memref_slice %arg6[%dma_wait3A_906, %dma_wait3A_907, %dma_wait3A_908] : memref<6x128x128xf32, #tpu.memory_space<vmem>> -> memref<1x128x128xf32, #tpu.memory_space<vmem>>
    %dma_wait3A_910 = tpu.memref_squeeze %dma_wait3A_909 : memref<1x128x128xf32, #tpu.memory_space<vmem>> -> memref<128x128xf32, #tpu.memory_space<vmem>>
    %dma_wait3A_911 = arith.constant 1408 : i32
    %dma_wait3A_912 = arith.constant 0 : i32
    %dma_wait3A_913 = tpu.memref_slice %arg4[%add3A, %dma_wait3A_911, %dma_wait3A_912] : memref<32x2048x128xf32, #tpu.memory_space<hbm>> -> memref<1x128x128xf32, #tpu.memory_space<hbm>>
    %dma_wait3A_914 = tpu.memref_squeeze %dma_wait3A_913 : memref<1x128x128xf32, #tpu.memory_space<hbm>> -> memref<128x128xf32, #tpu.memory_space<hbm>>
    %dma_wait3A_915 = arith.constant 1408 : i32
    %dma_wait3A_916 = arith.constant 0 : i32
    %dma_wait3A_917 = tpu.memref_slice %arg4[%add3A, %dma_wait3A_915, %dma_wait3A_916] : memref<32x2048x128xf32, #tpu.memory_space<hbm>> -> memref<1x128x128xf32, #tpu.memory_space<hbm>>
    %dma_wait3A_918 = tpu.memref_squeeze %dma_wait3A_917 : memref<1x128x128xf32, #tpu.memory_space<hbm>> -> memref<128x128xf32, #tpu.memory_space<hbm>>
    %dma_wait3A_919 = arith.constant 0 : i32
    %dma_wait3A_920 = arith.constant 0 : i32
    %dma_wait3A_921 = tpu.memref_slice %arg6[%dma_wait3A_906, %dma_wait3A_919, %dma_wait3A_920] : memref<6x128x128xf32, #tpu.memory_space<vmem>> -> memref<1x128x128xf32, #tpu.memory_space<vmem>>
    %dma_wait3A_922 = tpu.memref_squeeze %dma_wait3A_921 : memref<1x128x128xf32, #tpu.memory_space<vmem>> -> memref<128x128xf32, #tpu.memory_space<vmem>>
    tpu.wait_dma2 semaphore(%arg18 : memref<!tpu.dma_semaphore, #tpu.memory_space<semaphore_mem>>) src(%dma_wait3A_922 : memref<128x128xf32, #tpu.memory_space<vmem>>) dst(%dma_wait3A_918 : memref<128x128xf32, #tpu.memory_space<hbm>>)
    %dma_wait3A_923 = arith.constant 0 : i32
    %dma_wait3A_924 = arith.constant 0 : i32
    %dma_wait3A_925 = arith.constant 0 : i32
    %dma_wait3A_926 = tpu.memref_slice %arg6[%dma_wait3A_923, %dma_wait3A_924, %dma_wait3A_925] : memref<6x128x128xf32, #tpu.memory_space<vmem>> -> memref<1x128x128xf32, #tpu.memory_space<vmem>>
    %dma_wait3A_927 = tpu.memref_squeeze %dma_wait3A_926 : memref<1x128x128xf32, #tpu.memory_space<vmem>> -> memref<128x128xf32, #tpu.memory_space<vmem>>
    %dma_wait3A_928 = arith.constant 1536 : i32
    %dma_wait3A_929 = arith.constant 0 : i32
    %dma_wait3A_930 = tpu.memref_slice %arg4[%add3A, %dma_wait3A_928, %dma_wait3A_929] : memref<32x2048x128xf32, #tpu.memory_space<hbm>> -> memref<1x128x128xf32, #tpu.memory_space<hbm>>
    %dma_wait3A_931 = tpu.memref_squeeze %dma_wait3A_930 : memref<1x128x128xf32, #tpu.memory_space<hbm>> -> memref<128x128xf32, #tpu.memory_space<hbm>>
    %dma_wait3A_932 = arith.constant 1536 : i32
    %dma_wait3A_933 = arith.constant 0 : i32
    %dma_wait3A_934 = tpu.memref_slice %arg4[%add3A, %dma_wait3A_932, %dma_wait3A_933] : memref<32x2048x128xf32, #tpu.memory_space<hbm>> -> memref<1x128x128xf32, #tpu.memory_space<hbm>>
    %dma_wait3A_935 = tpu.memref_squeeze %dma_wait3A_934 : memref<1x128x128xf32, #tpu.memory_space<hbm>> -> memref<128x128xf32, #tpu.memory_space<hbm>>
    %dma_wait3A_936 = arith.constant 0 : i32
    %dma_wait3A_937 = arith.constant 0 : i32
    %dma_wait3A_938 = tpu.memref_slice %arg6[%dma_wait3A_923, %dma_wait3A_936, %dma_wait3A_937] : memref<6x128x128xf32, #tpu.memory_space<vmem>> -> memref<1x128x128xf32, #tpu.memory_space<vmem>>
    %dma_wait3A_939 = tpu.memref_squeeze %dma_wait3A_938 : memref<1x128x128xf32, #tpu.memory_space<vmem>> -> memref<128x128xf32, #tpu.memory_space<vmem>>
    tpu.wait_dma2 semaphore(%arg13 : memref<!tpu.dma_semaphore, #tpu.memory_space<semaphore_mem>>) src(%dma_wait3A_939 : memref<128x128xf32, #tpu.memory_space<vmem>>) dst(%dma_wait3A_935 : memref<128x128xf32, #tpu.memory_space<hbm>>)
    %dma_wait3A_940 = arith.constant 1 : i32
    %dma_wait3A_941 = arith.constant 0 : i32
    %dma_wait3A_942 = arith.constant 0 : i32
    %dma_wait3A_943 = tpu.memref_slice %arg6[%dma_wait3A_940, %dma_wait3A_941, %dma_wait3A_942] : memref<6x128x128xf32, #tpu.memory_space<vmem>> -> memref<1x128x128xf32, #tpu.memory_space<vmem>>
    %dma_wait3A_944 = tpu.memref_squeeze %dma_wait3A_943 : memref<1x128x128xf32, #tpu.memory_space<vmem>> -> memref<128x128xf32, #tpu.memory_space<vmem>>
    %dma_wait3A_945 = arith.constant 1664 : i32
    %dma_wait3A_946 = arith.constant 0 : i32
    %dma_wait3A_947 = tpu.memref_slice %arg4[%add3A, %dma_wait3A_945, %dma_wait3A_946] : memref<32x2048x128xf32, #tpu.memory_space<hbm>> -> memref<1x128x128xf32, #tpu.memory_space<hbm>>
    %dma_wait3A_948 = tpu.memref_squeeze %dma_wait3A_947 : memref<1x128x128xf32, #tpu.memory_space<hbm>> -> memref<128x128xf32, #tpu.memory_space<hbm>>
    %dma_wait3A_949 = arith.constant 1664 : i32
    %dma_wait3A_950 = arith.constant 0 : i32
    %dma_wait3A_951 = tpu.memref_slice %arg4[%add3A, %dma_wait3A_949, %dma_wait3A_950] : memref<32x2048x128xf32, #tpu.memory_space<hbm>> -> memref<1x128x128xf32, #tpu.memory_space<hbm>>
    %dma_wait3A_952 = tpu.memref_squeeze %dma_wait3A_951 : memref<1x128x128xf32, #tpu.memory_space<hbm>> -> memref<128x128xf32, #tpu.memory_space<hbm>>
    %dma_wait3A_953 = arith.constant 0 : i32
    %dma_wait3A_954 = arith.constant 0 : i32
    %dma_wait3A_955 = tpu.memref_slice %arg6[%dma_wait3A_940, %dma_wait3A_953, %dma_wait3A_954] : memref<6x128x128xf32, #tpu.memory_space<vmem>> -> memref<1x128x128xf32, #tpu.memory_space<vmem>>
    %dma_wait3A_956 = tpu.memref_squeeze %dma_wait3A_955 : memref<1x128x128xf32, #tpu.memory_space<vmem>> -> memref<128x128xf32, #tpu.memory_space<vmem>>
    tpu.wait_dma2 semaphore(%arg14 : memref<!tpu.dma_semaphore, #tpu.memory_space<semaphore_mem>>) src(%dma_wait3A_956 : memref<128x128xf32, #tpu.memory_space<vmem>>) dst(%dma_wait3A_952 : memref<128x128xf32, #tpu.memory_space<hbm>>)
    %dma_wait3A_957 = arith.constant 2 : i32
    %dma_wait3A_958 = arith.constant 0 : i32
    %dma_wait3A_959 = arith.constant 0 : i32
    %dma_wait3A_960 = tpu.memref_slice %arg6[%dma_wait3A_957, %dma_wait3A_958, %dma_wait3A_959] : memref<6x128x128xf32, #tpu.memory_space<vmem>> -> memref<1x128x128xf32, #tpu.memory_space<vmem>>
    %dma_wait3A_961 = tpu.memref_squeeze %dma_wait3A_960 : memref<1x128x128xf32, #tpu.memory_space<vmem>> -> memref<128x128xf32, #tpu.memory_space<vmem>>
    %dma_wait3A_962 = arith.constant 1792 : i32
    %dma_wait3A_963 = arith.constant 0 : i32
    %dma_wait3A_964 = tpu.memref_slice %arg4[%add3A, %dma_wait3A_962, %dma_wait3A_963] : memref<32x2048x128xf32, #tpu.memory_space<hbm>> -> memref<1x128x128xf32, #tpu.memory_space<hbm>>
    %dma_wait3A_965 = tpu.memref_squeeze %dma_wait3A_964 : memref<1x128x128xf32, #tpu.memory_space<hbm>> -> memref<128x128xf32, #tpu.memory_space<hbm>>
    %dma_wait3A_966 = arith.constant 1792 : i32
    %dma_wait3A_967 = arith.constant 0 : i32
    %dma_wait3A_968 = tpu.memref_slice %arg4[%add3A, %dma_wait3A_966, %dma_wait3A_967] : memref<32x2048x128xf32, #tpu.memory_space<hbm>> -> memref<1x128x128xf32, #tpu.memory_space<hbm>>
    %dma_wait3A_969 = tpu.memref_squeeze %dma_wait3A_968 : memref<1x128x128xf32, #tpu.memory_space<hbm>> -> memref<128x128xf32, #tpu.memory_space<hbm>>
    %dma_wait3A_970 = arith.constant 0 : i32
    %dma_wait3A_971 = arith.constant 0 : i32
    %dma_wait3A_972 = tpu.memref_slice %arg6[%dma_wait3A_957, %dma_wait3A_970, %dma_wait3A_971] : memref<6x128x128xf32, #tpu.memory_space<vmem>> -> memref<1x128x128xf32, #tpu.memory_space<vmem>>
    %dma_wait3A_973 = tpu.memref_squeeze %dma_wait3A_972 : memref<1x128x128xf32, #tpu.memory_space<vmem>> -> memref<128x128xf32, #tpu.memory_space<vmem>>
    tpu.wait_dma2 semaphore(%arg15 : memref<!tpu.dma_semaphore, #tpu.memory_space<semaphore_mem>>) src(%dma_wait3A_973 : memref<128x128xf32, #tpu.memory_space<vmem>>) dst(%dma_wait3A_969 : memref<128x128xf32, #tpu.memory_space<hbm>>)
    %dma_wait3A_974 = arith.constant 3 : i32
    %dma_wait3A_975 = arith.constant 0 : i32
    %dma_wait3A_976 = arith.constant 0 : i32
    %dma_wait3A_977 = tpu.memref_slice %arg6[%dma_wait3A_974, %dma_wait3A_975, %dma_wait3A_976] : memref<6x128x128xf32, #tpu.memory_space<vmem>> -> memref<1x128x128xf32, #tpu.memory_space<vmem>>
    %dma_wait3A_978 = tpu.memref_squeeze %dma_wait3A_977 : memref<1x128x128xf32, #tpu.memory_space<vmem>> -> memref<128x128xf32, #tpu.memory_space<vmem>>
    %dma_wait3A_979 = arith.constant 1920 : i32
    %dma_wait3A_980 = arith.constant 0 : i32
    %dma_wait3A_981 = tpu.memref_slice %arg4[%add3A, %dma_wait3A_979, %dma_wait3A_980] : memref<32x2048x128xf32, #tpu.memory_space<hbm>> -> memref<1x128x128xf32, #tpu.memory_space<hbm>>
    %dma_wait3A_982 = tpu.memref_squeeze %dma_wait3A_981 : memref<1x128x128xf32, #tpu.memory_space<hbm>> -> memref<128x128xf32, #tpu.memory_space<hbm>>
    %dma_wait3A_983 = arith.constant 1920 : i32
    %dma_wait3A_984 = arith.constant 0 : i32
    %dma_wait3A_985 = tpu.memref_slice %arg4[%add3A, %dma_wait3A_983, %dma_wait3A_984] : memref<32x2048x128xf32, #tpu.memory_space<hbm>> -> memref<1x128x128xf32, #tpu.memory_space<hbm>>
    %dma_wait3A_986 = tpu.memref_squeeze %dma_wait3A_985 : memref<1x128x128xf32, #tpu.memory_space<hbm>> -> memref<128x128xf32, #tpu.memory_space<hbm>>
    %dma_wait3A_987 = arith.constant 0 : i32
    %dma_wait3A_988 = arith.constant 0 : i32
    %dma_wait3A_989 = tpu.memref_slice %arg6[%dma_wait3A_974, %dma_wait3A_987, %dma_wait3A_988] : memref<6x128x128xf32, #tpu.memory_space<vmem>> -> memref<1x128x128xf32, #tpu.memory_space<vmem>>
    %dma_wait3A_990 = tpu.memref_squeeze %dma_wait3A_989 : memref<1x128x128xf32, #tpu.memory_space<vmem>> -> memref<128x128xf32, #tpu.memory_space<vmem>>
    tpu.wait_dma2 semaphore(%arg16 : memref<!tpu.dma_semaphore, #tpu.memory_space<semaphore_mem>>) src(%dma_wait3A_990 : memref<128x128xf32, #tpu.memory_space<vmem>>) dst(%dma_wait3A_986 : memref<128x128xf32, #tpu.memory_space<hbm>>)
    return
  }
}

</mosaic_0001>

<sc_bundles>
// kernel: _selection_gather.3.cloned.1.call-start
scs
__scs_entry_jumppad:
0x0: {  	(pc) =	sbr.rel $0x88, $3  }
0x1: {  	(tag) =	ssettag $0x0;
	lr =	simm.s32 $0x1  }
0x2: {  	[smem:$0x3F9F] =	sst lr;
	_ =	strace $0xD0000000  }
0x3: {  	_ = 	snop  }
0x4: {  	_ = 	snop  }
0x5: {  	_ = 	snop  }
0x6: {  	_ = 	snop  }
0x7: {  	_ = 	snop  }
__scs_overlays_trampoline_lowered:
0x8: {  	[smem:$0x3FAE] =	sst s0  }
0x9: {  	[smem:$0x3FAF] =	sst s1  }
0xa: {  	[smem:$0x3FB0] =	sst s2  }
0xb: {  	[smem:$0x3FB1] =	sst s3  }
0xc: {  	[smem:$0x3FB2] =	sst s4  }
0xd: {  	[smem:$0x3FB3] =	sst s5  }
0xe: {  	[smem:$0x3FB4] =	sst s6  }
0xf: {  	[smem:$0x3FB5] =	sst s7  }
0x10: {  	[smem:$0x3FB6] =	sst s8  }
0x11: {  	[smem:$0x3FB7] =	sst s9;
	s0 =	simm.s32 @!p0 $0x0  }
0x12: {  	s1 =	sld [smem:$0x3F9D];
	s0 =	simm.s32 @p0 $0x1  }
0x13: {  	[smem:$0x3FB8] =	sst s0;
	s0 =	simm.s32 @!p1 $0x0  }
0x14: {  	s2 =	sld [smem:$0x3F9C];
	s0 =	simm.s32 @p1 $0x1  }
0x15: {  	[smem:$0x3FB9] =	sst s0;
	s0 =	simm.s32 @!p2 $0x0  }
0x16: {  	s3 =	sld [smem:$0x3FDB];
	s0 =	simm.s32 @p2 $0x1  }
0x17: {  	s4 =	simm.s32 $0x1BF5;
	[smem:$0x3FBB] =	sst s0  }
0x18: {  	s0 =	sld [smem:$0x3F9E];
	_ =	swait.ge [sflag:s4], $0x0  }
0x19: {  	s7 =	sld [smem:$0x3F9F]  }
0x1a: {  	s8 =	sadd.s32 $0xFFFFE003, lr  }
0x1b: {  	s9 =	sadd.s32 $0xFFFFFEF7, lr;
	s5 =	simm.s32 $0xFFFFFFFF;
	p2 =	slt.u32 s8, $0xFFFFF086  }
0x1c: {  	p1 =	slt.u32 s9, $0xF7A;
	s5 =	simm.s32 @!p2 $0x0  }
0x1d: {  	s5 =	simm.s32 @p1 $0x1;
	p0 =	seq.s32 s7, s2  }
0x1e: {  	s7 =	smul.u32 @!p0 $0xF7A, s2;
	p2 =	seq.s32 @!p0 s5, $0x0  }
0x1f: {  	s9 =	smul.u32 $0xF7A, s1;
	s8 =	simm.s32 @!p0 $0x1BF5;
	p2 =	por !p2, p0  }
0x20: {  	[sflag:s8] =	ssyncset.s32 @!p0 $0xFFFFF086;
	s6 =	sadd.s32 @!p0 s3, s7;
	s7 =	simm.s32 @!p0 $0x108  }
0x21: {  	s3 =	sadd.s32 s3, s9;
	s6 =	sadd.s32 @!p0 $0x88, s6;
	s7 =	simm.s32 @p2 $0x1082  }
0x22: {  	[simem:s7], [sflag:s8] =	dma.local @!p0 [hbm:s6], $0xF7A  }
0x23: {  	s9 =	sor.u32 $0xD0000000, s2;
	s6 =	simm.s32 $0x108;
	_ =	swait.ge @!p0 [sflag:s8], $0x0  }
0x24: {  	s3 =	sadd.s32 $0x88, s3;
	s6 =	simm.s32 @!p1 $0x1082;
	[sflag:s4] =	ssyncset.s32 $0xFFFFF086  }
0x25: {  	[simem:s6], [sflag:s4] =	dma.local [hbm:s3], $0xF7A  }
0x26: {  	[smem:$0x3F9F] =	sst s1;
	(tag) =	ssettag s2;
	_ =	strace s9  }
0x27: {  	s1 =	sld [smem:$0x3FAF]  }
0x28: {  	s2 =	sld [smem:$0x3FB0]  }
0x29: {  	s4 =	sld [smem:$0x3FB2]  }
0x2a: {  	p0 =	seq.s32 s5, $0x0;
	s5 =	sld [smem:$0x3FB3]  }
0x2b: {  	s6 =	sld [smem:$0x3FB4]  }
0x2c: {  	s7 =	sld [smem:$0x3FB5]  }
0x2d: {  	s3 =	simm.s32 $0x108;
	s8 =	sld [smem:$0x3FB6]  }
0x2e: {  	s3 =	simm.s32 @!p0 $0x1082;
	s9 =	sld [smem:$0x3FB7]  }
0x2f: {  	lr =	sadd.s32 s0, s3;
	s0 =	sld [smem:$0x3FAE]  }
0x30: {  	s3 =	sld [smem:$0x3FB1]  }
0x31: {  	[smem:$0x3FBA] =	sst s10  }
0x32: {  	s10 =	sld [smem:$0x3FB8];
	_ =	sdelay $0x3  }
0x33: {  	p0 =	seq.s32 s10, $0x1;
	s10 =	sld [smem:$0x3FBA];
	_ =	sdelay $0x3  }
0x34: {  	[smem:$0x3FBA] =	sst s10  }
0x35: {  	s10 =	sld [smem:$0x3FB9];
	_ =	sdelay $0x3  }
0x36: {  	p1 =	seq.s32 s10, $0x1;
	s10 =	sld [smem:$0x3FBA];
	_ =	sdelay $0x3  }
0x37: {  	[smem:$0x3FBA] =	sst s10  }
0x38: {  	s10 =	sld [smem:$0x3FBB]  }
0x39: {  	_ = 	snop;
	(pc) =	sbr.ind lr, $3  }
0x3a: {  	_ = 	snop  }
0x3b: {  	_ = 	snop  }
0x3c: {  	p2 =	seq.s32 s10, $0x1;
	s10 =	sld [smem:$0x3FBA]  }
0x3d: {  	_ =	shalt  }
0x3e: {  	_ =	shalt  }
0x3f: {  	_ =	shalt  }
0x40: {  	_ =	shalt  }
0x41: {  	_ =	shalt  }
0x42: {  	_ =	shalt  }
0x43: {  	_ =	shalt  }
0x44: {  	_ =	shalt  }
0x45: {  	_ =	shalt  }
0x46: {  	_ =	shalt  }
0x47: {  	_ =	shalt  }
0x48: {  	_ =	shalt  }
0x49: {  	_ =	shalt  }
0x4a: {  	_ =	shalt  }
0x4b: {  	_ =	shalt  }
0x4c: {  	_ =	shalt  }
0x4d: {  	_ =	shalt  }
0x4e: {  	_ =	shalt  }
0x4f: {  	_ =	shalt  }
0x50: {  	_ =	shalt  }
0x51: {  	_ =	shalt  }
0x52: {  	_ =	shalt  }
0x53: {  	_ =	shalt  }
0x54: {  	_ =	shalt  }
0x55: {  	_ =	shalt  }
0x56: {  	_ =	shalt  }
0x57: {  	_ =	shalt  }
0x58: {  	_ =	shalt  }
0x59: {  	_ =	shalt  }
0x5a: {  	_ =	shalt  }
0x5b: {  	_ =	shalt  }
0x5c: {  	_ =	shalt  }
0x5d: {  	_ =	shalt  }
0x5e: {  	_ =	shalt  }
0x5f: {  	_ =	shalt  }
0x60: {  	_ =	shalt  }
0x61: {  	_ =	shalt  }
0x62: {  	_ =	shalt  }
0x63: {  	_ =	shalt  }
0x64: {  	_ =	shalt  }
0x65: {  	_ =	shalt  }
0x66: {  	_ =	shalt  }
0x67: {  	_ =	shalt  }
0x68: {  	_ =	shalt  }
0x69: {  	_ =	shalt  }
0x6a: {  	_ =	shalt  }
0x6b: {  	_ =	shalt  }
0x6c: {  	_ =	shalt  }
0x6d: {  	_ =	shalt  }
0x6e: {  	_ =	shalt  }
0x6f: {  	_ =	shalt  }
0x70: {  	_ =	shalt  }
0x71: {  	_ =	shalt  }
0x72: {  	_ =	shalt  }
0x73: {  	_ =	shalt  }
0x74: {  	_ =	shalt  }
0x75: {  	_ =	shalt  }
0x76: {  	_ =	shalt  }
0x77: {  	_ =	shalt  }
0x78: {  	_ =	shalt  }
0x79: {  	_ =	shalt  }
0x7a: {  	_ =	shalt  }
0x7b: {  	_ =	shalt  }
0x7c: {  	_ =	shalt  }
0x7d: {  	_ =	shalt  }
0x7e: {  	_ =	shalt  }
0x7f: {  	_ =	shalt  }
0x80: {  	_ =	shalt  }
0x81: {  	_ =	shalt  }
0x82: {  	_ =	shalt  }
0x83: {  	_ =	shalt  }
0x84: {  	_ =	shalt  }
0x85: {  	_ =	shalt  }
0x86: {  	_ =	shalt  }
0x87: {  	_ =	shalt  }
.Lfunc_end0:
.L_simem_size_0:
called_computation_lowered:
.L_overlay_start_0:
0x88: {  	s2 =	sld [smem:$0x3FD9]  }
0x89: {  	s3 =	sld [smem:$0x3FFE];
	_ =	sdelay $0x1  }
0x8a: {  	s1 =	srdreg.scid  }
0x8b: {  	s0 =	sand.u32 $0x1, s1  }
0x8c: {  	s18 =	sshll.u32 s0, $0xA;
	s2 =	sadd.s32 s3, s2  }
0x8d: {  	s2 =	sadd.s32 s2, s18  }
0x8e: {  	[smem:$0x3FC6] =	sst s2  }
0x8f: {  	_ = 	snop  }
0x90: {  	s2 =	sld [smem:$0x3FC9]  }
0x91: {  	s19 =	sld [smem:$0x3FC8]  }
0x92: {  	s4 =	sld [smem:$0x3FD0];
	(tm) =	ssettm $0x1  }
0x93: {  	s5 =	sld [smem:$0x3FFB];
	_ =	sdelay $0x3  }
0x94: {  	_ =	strace s5  }
0x95: {  	s5 =	sld [smem:$0x3FFC];
	_ =	sdelay $0x3  }
0x96: {  	_ =	strace s5  }
0x97: {  	s5 =	sld [smem:$0x3FFD];
	_ =	sdelay $0x3  }
0x98: {  	_ =	strace s5  }
0x99: {  	_ =	strace $0x8FFFFFFF  }
0x9a: {  	s20 =	sld [smem:$0x3FDB];
	_ =	sdelay $0x1  }
0x9b: {  	s6 =	simm.s32 $_scs_section_size  }
0x9c: {  	s7 =	simm.s32 $_size__tile_overlayer_lowered;
	s8 =	simm.s32 $_tile_overlayer_lowered  }
0x9d: {  	s23 =	simm.s32 $0x1BFF;
	s22 =	sshll.u32 s8, $0x1;
	s5 =	sadd.s32 s6, s20  }
0x9e: {  	s9 =	simm.s32 $0x0;
	s21 =	sshll.u32 s7, $0x1;
	s7 =	sadd.s32 s22, s5  }
0x9f: {  	[timem:s9], [sflag:s23] =	dma.local [hbm:s7], s21  }
0xa0: {  	_ =	swait.ge [sflag:s23], s21  }
0xa1: {  	s6 =	ssub.s32 $0x0, s21;
	[sflag:s23] =	ssyncset.done $0x0  }
0xa2: {  	[sflag:s23] =	ssyncadd.s32 s6;
	_ =	sdelay $0x1  }
0xa3: {  	s24 =	simm.s32 $0x1B8B  }
0xa4: {  	_ =	swait.ge [sflag:s24], $0x1  }
0xa5: {  	[sflag:s24] =	ssyncset.done $0x0  }
0xa6: {  	s25 =	simm.s32 $0x1B8E;
	[sflag:s24] =	ssyncadd.s32 $0xFFFFFFFF  }
0xa7: {  	s26 =	simm.s32 $execute0_lowered;
	[smem:$0x3FD2] =	sst s25  }
0xa8: {  	s6 =	sshll.u32 s26, $0x1;
	_ =	strace $0x80000046;
	[dreg:$0x1] =	wrdreg $0xFFFFFFFF  }
0xa9: {  	s28 =	simm.s32 $_size_execute0_lowered;
	s5 =	sadd.s32 s5, s6;
	[dreg:$0x0] =	wrdreg $0x0  }
0xaa: {  	s6 =	sshll.u32 s28, $0x1;
	[dreg:$0x2] =	wrdreg s5  }
0xab: {  	[dreg:$0x3] =	wrdreg s6  }
0xac: {  	[dreg:$0x4] =	wrdreg $0xC0  }
0xad: {  	_ =	task [dreg:s9], $0x5FFFF  }
0xae: {  	[dreg:$0x1] =	wrdreg $0xFFFFFFFF  }
0xaf: {  	[dreg:$0x0] =	wrdreg $0x60  }
0xb0: {  	[dreg:$0x2] =	wrdreg s2  }
0xb1: {  	[dreg:$0x3] =	wrdreg s19  }
0xb2: {  	[dreg:$0x4] =	wrdreg s4  }
0xb3: {  	[dreg:$0x5] =	wrdreg $0x9  }
0xb4: {  	_ =	task.clear_ibuf [dreg:s9], $0x6FFFF;
	_ =	strace $0x90000046  }
0xb5: {  	s29 =	simm.s32 $0x9;
	_ =	strace $0x80000048  }
0xb6: {  	_ =	swait.ge [sflag:s29], $0x1  }
0xb7: {  	[sflag:s29] =	ssyncadd.s32 $0xFFFFFFFF  }
0xb8: {  	_ =	strace $0x90000048  }
0xb9: {  	_ =	sfence  }
0xba: {  	s30 =	sld [smem:$0x0];
	_ =	sdelay $0x2  }
0xbb: {  	s31 =	sshll.u32 s1, $0xD;
	s1 =	sshrl.u32 s1, $0x2  }
0xbc: {  	s3 =	sand.u32 $0x4000, s31;
	s1 =	sadd.s32 s1, s30  }
0xbd: {  	s0 =	sor.u32 s3, s0;
	s1 =	sshll.u32 s1, $0x11  }
0xbe: {  	s0 =	sor.u32 s1, s0  }
0xbf: {  	s0 =	sadd.s32 $0x8F2B, s0  }
0xc0: {  	[sflag:s0] =	ssyncadd.remote.s32 $0x1  }
0xc1: {  	_ =	sfence.sel $0xFFFF  }
0xc2: {  	[dreg:$0x0] =	wrdreg $0xFFFFFFFF;
	(pc) =	sbr.abs _section_cstart, $3  }
0xc3: {  	[dreg:$0x1] =	wrdreg $0xFFFFFFFF  }
0xc4: {  	_ =	task.clear_ibuf [dreg:s9], $0x2FFFF;
	_ =	strace $0x9FFFFFFF  }
0xc5: {  	(tm) =	ssettm $0x7FFFFFFF  }
tec
execute0_lowered:
.L_overlay_start_1:
0x0: {  	(tag) =	ssettag $0x1  }
0x1: {  	s0 =	rddreg [dreg:$0x0]  }
0x2: {  	s1 =	rddreg [dreg:$0x1]  }
0x3: {  	s3 =	rddreg [dreg:$0x2];
	s2 =	srdreg.scid  }
0x4: {  	s6 =	stileid.u32;
	s23 =	rddreg [dreg:$0x3]  }
0x5: {  	s16 =	simm.s32 $0x100;
	s17 =	simm.s32 $0x180;
	s4 =	sand.u32 $0x1, s2  }
0x6: {  	s5 =	sshll.u32 s6, $0x1;
	s2 =	simm.s32 $0x0;
	s6 =	sshll.u32 s6, $0x9  }
0x7: {  	s5 =	sor.u32 s4, s5;
	[smem:$0x7FF] =	sst s2;
	s6 =	sand.u32 $0x1800, s6  }
0x8: {  	s7 =	sshll.u32 s5, $0x4;
	_ =	strace $0x80000047;
	[dreg:$0x14] =	wrdreg s16  }
0x9: {  	s1 =	sadd.s32 s1, s6;
	s18 =	sshll.u32 s5, $0xF;
	[dreg:$0x15] =	wrdreg s17  }
0xa: {  	s7 =	sand.u32 $0x70, s7;
	s26 =	sadd.s32 s3, s18;
	s18 =	simm.s32 $0x200  }
0xb: {  	s1 =	sadd.s32 s7, s1;
	[dreg:$0x16] =	wrdreg s18  }
0xc: {  	s19 =	sadd.s32 $0x800, s26;
	[dreg:$0x4] =	wrdreg s1  }
0xd: {  	s28 =	simm.s32 $0x400;
	s20 =	sadd.s32 $0x1000, s26;
	[dreg:$0x5] =	wrdreg s19  }
0xe: {  	s31 =	simm.s32 $0xD;
	s21 =	sadd.s32 $0x1800, s26;
	[dreg:$0x6] =	wrdreg s20  }
0xf: {  	p0 =	por $0x0, $0x0;
	s22 =	sadd.s32 $0x2000, s26;
	[dreg:$0x7] =	wrdreg s21  }
0x10: {  	s30 =	simm.s32 $0x580;
	s24 =	sadd.s32 $0x2800, s26;
	[dreg:$0x8] =	wrdreg s22  }
0x11: {  	s29 =	simm.s32 $0x680;
	s25 =	sadd.s32 $0x3000, s26;
	[dreg:$0x9] =	wrdreg s24  }
0x12: {  	s9 =	ssub.s32 $0x2, s4;
	s3 =	sadd.s32 $0x3800, s26;
	[dreg:$0xa] =	wrdreg s25  }
0x13: {  	s4 =	sshrl.u32 s9, $0x1;
	s6 =	sadd.s32 $0x4000, s26;
	[dreg:$0xb] =	wrdreg s3  }
0x14: {  	s13 =	sshll.u32 s5, $0x11;
	s7 =	sadd.s32 $0x4800, s26;
	[dreg:$0xc] =	wrdreg s6  }
0x15: {  	s5 =	simm.s32 $0x8800;
	s8 =	sadd.s32 $0x5000, s26;
	[dreg:$0xd] =	wrdreg s7  }
0x16: {  	s16 =	simm.s32 $0x2;
	s10 =	sadd.s32 $0x5800, s26;
	[dreg:$0xe] =	wrdreg s8  }
0x17: {  	s17 =	simm.s32 $0xB;
	s11 =	sadd.s32 $0x6000, s26;
	[dreg:$0xf] =	wrdreg s10  }
0x18: {  	s12 =	sadd.s32 $0x6800, s26;
	s14 =	sadd.s32 $0x7000, s26;
	[dreg:$0x10] =	wrdreg s11  }
0x19: {  	s15 =	sadd.s32 $0x7800, s26;
	s18 =	simm.s32 $0xC;
	[dreg:$0x11] =	wrdreg s12  }
0x1a: {  	s3 =	ssub.s32 s9, s4;
	s9 =	sadd.s32 s0, s13;
	[dreg:$0x12] =	wrdreg s14  }
0x1b: {  	[dreg:$0x13] =	wrdreg s15;
	s12 =	simm.s32 $0x80;
	s11 =	simm.s32 $0x800  }
0x1c: {  	s10 =	simm.s32 $0x4800;
	s15 =	simm.s32 $0x1;
	s20 =	simm.s32 $0x10800  }
0x1d: {  	s19 =	simm.s32 $0x280;
	s14 =	simm.s32 $0x3;
	s4 =	simm.s32 $0x7  }
0x1e: {  	s21 =	simm.s32 $0x300;
	s13 =	simm.s32 $0x4;
	s22 =	simm.s32 $0x380  }
0x1f: {  	s6 =	simm.s32 $0x8;
	s7 =	simm.s32 $0x9;
	s0 =	smax.u32 s3, $0x1  }
0x20: {  	s24 =	simm.s32 $0x480;
	[dreg:$0x17] =	wrdreg s19;
	p1 =	sne.s32 s0, $0x1  }
.Ltmp0:
0x21: {  	s8 =	simm.s32 $0xA;
	[dreg:$0x18] =	wrdreg s21;
	(pc) =	sbr.rel @!p1 .LBB2_1-.Ltmp0, $4  }
0x22: {  	s25 =	simm.s32 $0x500;
	s3 =	simm.s32 $0xC800;
	[dreg:$0x19] =	wrdreg s22  }
0x23: {  	s19 =	simm.s32 $0x14800;
	s22 =	simm.s32 $0x5;
	[dreg:$0x1a] =	wrdreg s24  }
0x24: {  	s21 =	simm.s32 $0x6;
	[dreg:$0x1b] =	wrdreg s25;
	s25 =	simm.s32 $0x700  }
0x25: {  	s24 =	simm.s32 $0x780;
	s1 =	rddreg [dreg:$0x4];
	s0 =	sadd.s32 $0xFFFFFFFF, s0  }
0x26: {  	[tilespmem:s2], [sflag:$0xD] =	stream.strided.gather [hbm4b:s1+s12], $0x800, s28, s12, $0x38;
	[tilespmem:$0x18800] =	vst v63  }
0x27: {  	_ =	swait.ge [sflag:s31], $0x800  }
0x28: {  	[sflag:s31] =	ssyncset.done $0x0  }
0x29: {  	[sflag:s31] =	ssyncadd.s32 $0xFFFFF800  }
0x2a: {  	[tilespmem:s11], [sflag:$0x1] =	stream.indirect.gather [hbm4b:s9+s12], $0x80, s2, s12, $0xb8;
	[tilespmem:$0x18800] =	vst v63  }
0x2b: {  	_ = 	snop  }
0x2c: {  	[tilespmem:s10], [sflag:$0x2] =	stream.indirect.gather [hbm4b:s9+s12], $0x80, s12, s12, $0xb8;
	[tilespmem:$0x18800] =	vst v63  }
0x2d: {  	s1 =	rddreg [dreg:$0x14]  }
0x2e: {  	[tilespmem:s5], [sflag:$0x3] =	stream.indirect.gather [hbm4b:s9+s12], $0x80, s1, s12, $0xb8;
	[tilespmem:$0x18800] =	vst v63  }
0x2f: {  	s23 =	smov.u32 s0;
	s0 =	rddreg [dreg:$0x15]  }
0x30: {  	[tilespmem:s3], [sflag:$0x4] =	stream.indirect.gather [hbm4b:s9+s12], $0x80, s0, s12, $0xb8;
	[tilespmem:$0x18800] =	vst v63  }
0x31: {  	_ =	swait.ge [sflag:s15], $0x4000  }
0x32: {  	[sflag:s15] =	ssyncset.done $0x0  }
0x33: {  	[sflag:s15] =	ssyncadd.s32 $0xFFFFC000  }
0x34: {  	[hbm4b:s26+s2] =	stream.linear.scatter [tilespmem:s11], [sflag:$0x7], $0x4000, $0x38;
	[tilespmem:$0x18800] =	vst v63  }
0x35: {  	s1 =	rddreg [dreg:$0x16]  }
0x36: {  	[tilespmem:s20], [sflag:$0x5] =	stream.indirect.gather [hbm4b:s9+s12], $0x80, s1, s12, $0xb8;
	[tilespmem:$0x18800] =	vst v63  }
0x37: {  	_ =	swait.ge [sflag:s16], $0x4000  }
0x38: {  	[sflag:s16] =	ssyncset.done $0x0  }
0x39: {  	s0 =	rddreg [dreg:$0x5];
	[sflag:s16] =	ssyncadd.s32 $0xFFFFC000  }
0x3a: {  	[hbm4b:s0+s2] =	stream.linear.scatter [tilespmem:s10], [sflag:$0x8], $0x4000, $0x38;
	[tilespmem:$0x18800] =	vst v63  }
0x3b: {  	s1 =	rddreg [dreg:$0x17]  }
0x3c: {  	[tilespmem:s19], [sflag:$0x6] =	stream.indirect.gather [hbm4b:s9+s12], $0x80, s1, s12, $0xb8;
	[tilespmem:$0x18800] =	vst v63  }
0x3d: {  	_ =	swait.ge [sflag:s14], $0x4000  }
0x3e: {  	[sflag:s14] =	ssyncset.done $0x0  }
0x3f: {  	s1 =	rddreg [dreg:$0x6];
	[sflag:s14] =	ssyncadd.s32 $0xFFFFC000  }
0x40: {  	[hbm4b:s1+s2] =	stream.linear.scatter [tilespmem:s5], [sflag:$0x9], $0x4000, $0x38;
	[tilespmem:$0x18800] =	vst v63  }
0x41: {  	_ =	swait.ge [sflag:s4], $0x4000  }
0x42: {  	[sflag:s4] =	ssyncset.done $0x0  }
0x43: {  	s1 =	rddreg [dreg:$0x18];
	[sflag:s4] =	ssyncadd.s32 $0xFFFFC000  }
0x44: {  	[tilespmem:s11], [sflag:$0x1] =	stream.indirect.gather [hbm4b:s9+s12], $0x80, s1, s12, $0xb8;
	[tilespmem:$0x18800] =	vst v63  }
0x45: {  	_ =	swait.ge [sflag:s13], $0x4000  }
0x46: {  	[sflag:s13] =	ssyncset.done $0x0  }
0x47: {  	s1 =	rddreg [dreg:$0x7];
	[sflag:s13] =	ssyncadd.s32 $0xFFFFC000  }
0x48: {  	[hbm4b:s1+s2] =	stream.linear.scatter [tilespmem:s3], [sflag:$0xA], $0x4000, $0x38;
	[tilespmem:$0x18800] =	vst v63  }
0x49: {  	_ =	swait.ge [sflag:s6], $0x4000  }
0x4a: {  	[sflag:s6] =	ssyncset.done $0x0  }
0x4b: {  	s1 =	rddreg [dreg:$0x19];
	[sflag:s6] =	ssyncadd.s32 $0xFFFFC000  }
0x4c: {  	[tilespmem:s10], [sflag:$0x2] =	stream.indirect.gather [hbm4b:s9+s12], $0x80, s1, s12, $0xb8;
	[tilespmem:$0x18800] =	vst v63  }
0x4d: {  	_ =	swait.ge [sflag:s22], $0x4000  }
0x4e: {  	[sflag:s22] =	ssyncset.done $0x0  }
0x4f: {  	s1 =	rddreg [dreg:$0x8];
	[sflag:s22] =	ssyncadd.s32 $0xFFFFC000  }
0x50: {  	[hbm4b:s1+s2] =	stream.linear.scatter [tilespmem:s20], [sflag:$0xB], $0x4000, $0x38;
	[tilespmem:$0x18800] =	vst v63  }
0x51: {  	_ =	swait.ge [sflag:s7], $0x4000  }
0x52: {  	[sflag:s7] =	ssyncset.done $0x0  }
0x53: {  	[sflag:s7] =	ssyncadd.s32 $0xFFFFC000  }
0x54: {  	[tilespmem:s5], [sflag:$0x3] =	stream.indirect.gather [hbm4b:s9+s12], $0x80, s28, s12, $0xb8;
	[tilespmem:$0x18800] =	vst v63  }
0x55: {  	_ =	swait.ge [sflag:s21], $0x4000  }
0x56: {  	[sflag:s21] =	ssyncset.done $0x0  }
0x57: {  	s1 =	rddreg [dreg:$0x9];
	[sflag:s21] =	ssyncadd.s32 $0xFFFFC000  }
0x58: {  	[hbm4b:s1+s2] =	stream.linear.scatter [tilespmem:s19], [sflag:$0xC], $0x4000, $0x38;
	[tilespmem:$0x18800] =	vst v63  }
0x59: {  	_ =	swait.ge [sflag:s8], $0x4000  }
0x5a: {  	[sflag:s8] =	ssyncset.done $0x0  }
0x5b: {  	s1 =	rddreg [dreg:$0x1a];
	[sflag:s8] =	ssyncadd.s32 $0xFFFFC000  }
0x5c: {  	[tilespmem:s3], [sflag:$0x4] =	stream.indirect.gather [hbm4b:s9+s12], $0x80, s1, s12, $0xb8;
	[tilespmem:$0x18800] =	vst v63  }
0x5d: {  	_ =	swait.ge [sflag:s15], $0x4000  }
0x5e: {  	[sflag:s15] =	ssyncset.done $0x0  }
0x5f: {  	s1 =	rddreg [dreg:$0xa];
	[sflag:s15] =	ssyncadd.s32 $0xFFFFC000  }
0x60: {  	[hbm4b:s1+s2] =	stream.linear.scatter [tilespmem:s11], [sflag:$0x7], $0x4000, $0x38;
	[tilespmem:$0x18800] =	vst v63  }
0x61: {  	_ =	swait.ge [sflag:s17], $0x4000  }
0x62: {  	[sflag:s17] =	ssyncset.done $0x0  }
0x63: {  	s1 =	rddreg [dreg:$0x1b];
	[sflag:s17] =	ssyncadd.s32 $0xFFFFC000  }
0x64: {  	[tilespmem:s20], [sflag:$0x5] =	stream.indirect.gather [hbm4b:s9+s12], $0x80, s1, s12, $0xb8;
	[tilespmem:$0x18800] =	vst v63  }
0x65: {  	_ =	swait.ge [sflag:s16], $0x4000  }
0x66: {  	[sflag:s16] =	ssyncset.done $0x0  }
0x67: {  	s1 =	rddreg [dreg:$0xb];
	[sflag:s16] =	ssyncadd.s32 $0xFFFFC000  }
0x68: {  	[hbm4b:s1+s2] =	stream.linear.scatter [tilespmem:s10], [sflag:$0x8], $0x4000, $0x38;
	[tilespmem:$0x18800] =	vst v63  }
0x69: {  	_ =	swait.ge [sflag:s18], $0x4000  }
0x6a: {  	[sflag:s18] =	ssyncset.done $0x0  }
0x6b: {  	[sflag:s18] =	ssyncadd.s32 $0xFFFFC000  }
0x6c: {  	[tilespmem:s19], [sflag:$0x6] =	stream.indirect.gather [hbm4b:s9+s12], $0x80, s30, s12, $0xb8;
	[tilespmem:$0x18800] =	vst v63  }
0x6d: {  	_ =	swait.ge [sflag:s14], $0x4000  }
0x6e: {  	[sflag:s14] =	ssyncset.done $0x0  }
0x6f: {  	s1 =	rddreg [dreg:$0xc];
	[sflag:s14] =	ssyncadd.s32 $0xFFFFC000  }
0x70: {  	[hbm4b:s1+s2] =	stream.linear.scatter [tilespmem:s5], [sflag:$0x9], $0x4000, $0x38;
	[tilespmem:$0x18800] =	vst v63  }
0x71: {  	_ =	swait.ge [sflag:s4], $0x4000  }
0x72: {  	[sflag:s4] =	ssyncset.done $0x0  }
0x73: {  	s1 =	simm.s32 $0x600;
	[sflag:s4] =	ssyncadd.s32 $0xFFFFC000  }
0x74: {  	[tilespmem:s11], [sflag:$0x1] =	stream.indirect.gather [hbm4b:s9+s12], $0x80, s1, s12, $0xb8;
	[tilespmem:$0x18800] =	vst v63  }
0x75: {  	_ =	swait.ge [sflag:s13], $0x4000  }
0x76: {  	[sflag:s13] =	ssyncset.done $0x0  }
0x77: {  	s1 =	rddreg [dreg:$0xd];
	[sflag:s13] =	ssyncadd.s32 $0xFFFFC000  }
0x78: {  	[hbm4b:s1+s2] =	stream.linear.scatter [tilespmem:s3], [sflag:$0xA], $0x4000, $0x38;
	[tilespmem:$0x18800] =	vst v63  }
0x79: {  	_ =	swait.ge [sflag:s6], $0x4000  }
0x7a: {  	[sflag:s6] =	ssyncset.done $0x0  }
0x7b: {  	[sflag:s6] =	ssyncadd.s32 $0xFFFFC000  }
0x7c: {  	[tilespmem:s10], [sflag:$0x2] =	stream.indirect.gather [hbm4b:s9+s12], $0x80, s29, s12, $0xb8;
	[tilespmem:$0x18800] =	vst v63  }
0x7d: {  	_ =	swait.ge [sflag:s22], $0x4000  }
0x7e: {  	[sflag:s22] =	ssyncset.done $0x0  }
0x7f: {  	s1 =	rddreg [dreg:$0xe];
	[sflag:s22] =	ssyncadd.s32 $0xFFFFC000  }
0x80: {  	[hbm4b:s1+s2] =	stream.linear.scatter [tilespmem:s20], [sflag:$0xB], $0x4000, $0x38;
	[tilespmem:$0x18800] =	vst v63  }
0x81: {  	_ =	swait.ge [sflag:s7], $0x4000  }
0x82: {  	[sflag:s7] =	ssyncset.done $0x0  }
0x83: {  	[sflag:s7] =	ssyncadd.s32 $0xFFFFC000  }
0x84: {  	[tilespmem:s5], [sflag:$0x3] =	stream.indirect.gather [hbm4b:s9+s12], $0x80, s25, s12, $0xb8;
	[tilespmem:$0x18800] =	vst v63  }
0x85: {  	_ =	swait.ge [sflag:s21], $0x4000  }
0x86: {  	[sflag:s21] =	ssyncset.done $0x0  }
0x87: {  	s1 =	rddreg [dreg:$0xf];
	[sflag:s21] =	ssyncadd.s32 $0xFFFFC000  }
0x88: {  	[hbm4b:s1+s2] =	stream.linear.scatter [tilespmem:s19], [sflag:$0xC], $0x4000, $0x38;
	[tilespmem:$0x18800] =	vst v63  }
0x89: {  	_ =	swait.ge [sflag:s8], $0x4000  }
0x8a: {  	[sflag:s8] =	ssyncset.done $0x0  }
0x8b: {  	[sflag:s8] =	ssyncadd.s32 $0xFFFFC000  }
0x8c: {  	[tilespmem:s3], [sflag:$0x4] =	stream.indirect.gather [hbm4b:s9+s12], $0x80, s24, s12, $0xb8;
	[tilespmem:$0x18800] =	vst v63  }
0x8d: {  	_ =	swait.ge [sflag:s15], $0x4000  }
0x8e: {  	[sflag:s15] =	ssyncset.done $0x0  }
0x8f: {  	s1 =	rddreg [dreg:$0x10];
	[sflag:s15] =	ssyncadd.s32 $0xFFFFC000  }
0x90: {  	[hbm4b:s1+s2] =	stream.linear.scatter [tilespmem:s11], [sflag:$0x7], $0x4000, $0x38;
	[tilespmem:$0x18800] =	vst v63  }
0x91: {  	_ =	swait.ge [sflag:s16], $0x4000  }
0x92: {  	[sflag:s16] =	ssyncset.done $0x0  }
0x93: {  	s1 =	rddreg [dreg:$0x11];
	[sflag:s16] =	ssyncadd.s32 $0xFFFFC000  }
0x94: {  	[hbm4b:s1+s2] =	stream.linear.scatter [tilespmem:s10], [sflag:$0x8], $0x4000, $0x38;
	[tilespmem:$0x18800] =	vst v63  }
0x95: {  	_ =	swait.ge [sflag:s14], $0x4000  }
0x96: {  	[sflag:s14] =	ssyncset.done $0x0  }
0x97: {  	s1 =	rddreg [dreg:$0x12];
	[sflag:s14] =	ssyncadd.s32 $0xFFFFC000  }
0x98: {  	[hbm4b:s1+s2] =	stream.linear.scatter [tilespmem:s5], [sflag:$0x9], $0x4000, $0x38;
	[tilespmem:$0x18800] =	vst v63  }
0x99: {  	_ =	swait.ge [sflag:s13], $0x4000  }
0x9a: {  	[sflag:s13] =	ssyncset.done $0x0  }
0x9b: {  	s1 =	rddreg [dreg:$0x13];
	[sflag:s13] =	ssyncadd.s32 $0xFFFFC000  }
0x9c: {  	[hbm4b:s1+s2] =	stream.linear.scatter [tilespmem:s3], [sflag:$0xA], $0x4000, $0x38;
	[tilespmem:$0x18800] =	vst v63  }
0x9d: {  	_ =	swait.ge [sflag:s17], $0x4000  }
0x9e: {  	[sflag:s17] =	ssyncset.done $0x0  }
0x9f: {  	[sflag:s17] =	ssyncadd.s32 $0xFFFFC000  }
0xa0: {  	_ =	swait.ge [sflag:s18], $0x4000  }
0xa1: {  	[sflag:s18] =	ssyncset.done $0x0  }
0xa2: {  	[sflag:s18] =	ssyncadd.s32 $0xFFFFC000  }
0xa3: {  	_ =	swait.ge [sflag:s4], $0x4000  }
0xa4: {  	[sflag:s4] =	ssyncset.done $0x0  }
0xa5: {  	[sflag:s4] =	ssyncadd.s32 $0xFFFFC000  }
0xa6: {  	_ =	swait.ge [sflag:s6], $0x4000  }
0xa7: {  	[sflag:s6] =	ssyncset.done $0x0  }
0xa8: {  	p1 =	sne.s32 s23, $0x1;
	[sflag:s6] =	ssyncadd.s32 $0xFFFFC000  }
.Ltmp1:
0xa9: {  	_ =	swait.ge [sflag:s7], $0x4000;
	(pc) =	sbr.rel @!p1 .LBB2_3-.Ltmp1, $4  }
0xaa: {  	[sflag:s7] =	ssyncset.done $0x0  }
0xab: {  	[sflag:s7] =	ssyncadd.s32 $0xFFFFC000  }
0xac: {  	p0 =	por $0x1, $0x1;
	_ =	swait.ge [sflag:s8], $0x4000  }
0xad: {  	s0 =	sadd.s32 $0xFFFFFFFF, s23;
	s1 =	rddreg [dreg:$0x4];
	[sflag:s8] =	ssyncset.done $0x0  }
.LBB2_4:
0xae: {  	[sflag:s8] =	ssyncadd.s32 $0xFFFFC000  }
0xaf: {  	[tilespmem:s2], [sflag:$0xD] =	stream.strided.gather [hbm4b:s1+s12], $0x800, s28, s12, $0x38;
	[tilespmem:$0x18800] =	vst v63  }
0xb0: {  	_ =	swait.ge [sflag:s31], $0x800  }
0xb1: {  	[sflag:s31] =	ssyncset.done $0x0  }
0xb2: {  	[sflag:s31] =	ssyncadd.s32 $0xFFFFF800  }
0xb3: {  	[tilespmem:s11], [sflag:$0x1] =	stream.indirect.gather [hbm4b:s9+s12], $0x80, s2, s12, $0xb8;
	[tilespmem:$0x18800] =	vst v63  }
0xb4: {  	_ = 	snop  }
0xb5: {  	[tilespmem:s10], [sflag:$0x2] =	stream.indirect.gather [hbm4b:s9+s12], $0x80, s12, s12, $0xb8;
	[tilespmem:$0x18800] =	vst v63  }
0xb6: {  	s1 =	rddreg [dreg:$0x14]  }
0xb7: {  	[tilespmem:s5], [sflag:$0x3] =	stream.indirect.gather [hbm4b:s9+s12], $0x80, s1, s12, $0xb8;
	[tilespmem:$0x18800] =	vst v63  }
0xb8: {  	s23 =	rddreg [dreg:$0x15]  }
0xb9: {  	[tilespmem:s3], [sflag:$0x4] =	stream.indirect.gather [hbm4b:s9+s12], $0x80, s23, s12, $0xb8;
	[tilespmem:$0x18800] =	vst v63  }
0xba: {  	_ =	swait.ge [sflag:s15], $0x4000  }
0xbb: {  	[sflag:s15] =	ssyncset.done $0x0  }
0xbc: {  	[sflag:s15] =	ssyncadd.s32 $0xFFFFC000  }
0xbd: {  	[hbm4b:s26+s2] =	stream.linear.scatter [tilespmem:s11], [sflag:$0x7], $0x4000, $0x38;
	[tilespmem:$0x18800] =	vst v63  }
0xbe: {  	s23 =	rddreg [dreg:$0x16]  }
0xbf: {  	[tilespmem:s20], [sflag:$0x5] =	stream.indirect.gather [hbm4b:s9+s12], $0x80, s23, s12, $0xb8;
	[tilespmem:$0x18800] =	vst v63  }
0xc0: {  	_ =	swait.ge [sflag:s16], $0x4000  }
0xc1: {  	[sflag:s16] =	ssyncset.done $0x0  }
0xc2: {  	s1 =	rddreg [dreg:$0x5];
	[sflag:s16] =	ssyncadd.s32 $0xFFFFC000  }
0xc3: {  	[hbm4b:s1+s2] =	stream.linear.scatter [tilespmem:s10], [sflag:$0x8], $0x4000, $0x38;
	[tilespmem:$0x18800] =	vst v63  }
0xc4: {  	s23 =	rddreg [dreg:$0x17]  }
0xc5: {  	[tilespmem:s19], [sflag:$0x6] =	stream.indirect.gather [hbm4b:s9+s12], $0x80, s23, s12, $0xb8;
	[tilespmem:$0x18800] =	vst v63  }
0xc6: {  	_ =	swait.ge [sflag:s14], $0x4000  }
0xc7: {  	[sflag:s14] =	ssyncset.done $0x0  }
0xc8: {  	s23 =	rddreg [dreg:$0x6];
	[sflag:s14] =	ssyncadd.s32 $0xFFFFC000  }
0xc9: {  	[hbm4b:s23+s2] =	stream.linear.scatter [tilespmem:s5], [sflag:$0x9], $0x4000, $0x38;
	[tilespmem:$0x18800] =	vst v63  }
0xca: {  	_ =	swait.ge [sflag:s4], $0x4000  }
0xcb: {  	[sflag:s4] =	ssyncset.done $0x0  }
0xcc: {  	s23 =	rddreg [dreg:$0x18];
	[sflag:s4] =	ssyncadd.s32 $0xFFFFC000  }
0xcd: {  	[tilespmem:s11], [sflag:$0x1] =	stream.indirect.gather [hbm4b:s9+s12], $0x80, s23, s12, $0xb8;
	[tilespmem:$0x18800] =	vst v63  }
0xce: {  	_ =	swait.ge [sflag:s13], $0x4000  }
0xcf: {  	[sflag:s13] =	ssyncset.done $0x0  }
0xd0: {  	s23 =	rddreg [dreg:$0x7];
	[sflag:s13] =	ssyncadd.s32 $0xFFFFC000  }
0xd1: {  	[hbm4b:s23+s2] =	stream.linear.scatter [tilespmem:s3], [sflag:$0xA], $0x4000, $0x38;
	[tilespmem:$0x18800] =	vst v63  }
0xd2: {  	_ =	swait.ge [sflag:s6], $0x4000  }
0xd3: {  	[sflag:s6] =	ssyncset.done $0x0  }
0xd4: {  	s23 =	rddreg [dreg:$0x19];
	[sflag:s6] =	ssyncadd.s32 $0xFFFFC000  }
0xd5: {  	[tilespmem:s10], [sflag:$0x2] =	stream.indirect.gather [hbm4b:s9+s12], $0x80, s23, s12, $0xb8;
	[tilespmem:$0x18800] =	vst v63  }
0xd6: {  	_ =	swait.ge [sflag:s22], $0x4000  }
0xd7: {  	[sflag:s22] =	ssyncset.done $0x0  }
0xd8: {  	s23 =	rddreg [dreg:$0x8];
	[sflag:s22] =	ssyncadd.s32 $0xFFFFC000  }
0xd9: {  	[hbm4b:s23+s2] =	stream.linear.scatter [tilespmem:s20], [sflag:$0xB], $0x4000, $0x38;
	[tilespmem:$0x18800] =	vst v63  }
0xda: {  	_ =	swait.ge [sflag:s7], $0x4000  }
0xdb: {  	[sflag:s7] =	ssyncset.done $0x0  }
0xdc: {  	[sflag:s7] =	ssyncadd.s32 $0xFFFFC000  }
0xdd: {  	[tilespmem:s5], [sflag:$0x3] =	stream.indirect.gather [hbm4b:s9+s12], $0x80, s28, s12, $0xb8;
	[tilespmem:$0x18800] =	vst v63  }
0xde: {  	_ =	swait.ge [sflag:s21], $0x4000  }
0xdf: {  	[sflag:s21] =	ssyncset.done $0x0  }
0xe0: {  	s23 =	rddreg [dreg:$0x9];
	[sflag:s21] =	ssyncadd.s32 $0xFFFFC000  }
0xe1: {  	[hbm4b:s23+s2] =	stream.linear.scatter [tilespmem:s19], [sflag:$0xC], $0x4000, $0x38;
	[tilespmem:$0x18800] =	vst v63  }
0xe2: {  	_ =	swait.ge [sflag:s8], $0x4000  }
0xe3: {  	[sflag:s8] =	ssyncset.done $0x0  }
0xe4: {  	s23 =	rddreg [dreg:$0x1a];
	[sflag:s8] =	ssyncadd.s32 $0xFFFFC000  }
0xe5: {  	[tilespmem:s3], [sflag:$0x4] =	stream.indirect.gather [hbm4b:s9+s12], $0x80, s23, s12, $0xb8;
	[tilespmem:$0x18800] =	vst v63  }
0xe6: {  	_ =	swait.ge [sflag:s15], $0x4000  }
0xe7: {  	[sflag:s15] =	ssyncset.done $0x0  }
0xe8: {  	s23 =	rddreg [dreg:$0xa];
	[sflag:s15] =	ssyncadd.s32 $0xFFFFC000  }
0xe9: {  	[hbm4b:s23+s2] =	stream.linear.scatter [tilespmem:s11], [sflag:$0x7], $0x4000, $0x38;
	[tilespmem:$0x18800] =	vst v63  }
0xea: {  	_ =	swait.ge [sflag:s17], $0x4000  }
0xeb: {  	[sflag:s17] =	ssyncset.done $0x0  }
0xec: {  	s23 =	rddreg [dreg:$0x1b];
	[sflag:s17] =	ssyncadd.s32 $0xFFFFC000  }
0xed: {  	[tilespmem:s20], [sflag:$0x5] =	stream.indirect.gather [hbm4b:s9+s12], $0x80, s23, s12, $0xb8;
	[tilespmem:$0x18800] =	vst v63  }
0xee: {  	_ =	swait.ge [sflag:s16], $0x4000  }
0xef: {  	[sflag:s16] =	ssyncset.done $0x0  }
0xf0: {  	s23 =	rddreg [dreg:$0xb];
	[sflag:s16] =	ssyncadd.s32 $0xFFFFC000  }
0xf1: {  	[hbm4b:s23+s2] =	stream.linear.scatter [tilespmem:s10], [sflag:$0x8], $0x4000, $0x38;
	[tilespmem:$0x18800] =	vst v63  }
0xf2: {  	_ =	swait.ge [sflag:s18], $0x4000  }
0xf3: {  	[sflag:s18] =	ssyncset.done $0x0  }
0xf4: {  	[sflag:s18] =	ssyncadd.s32 $0xFFFFC000  }
0xf5: {  	[tilespmem:s19], [sflag:$0x6] =	stream.indirect.gather [hbm4b:s9+s12], $0x80, s30, s12, $0xb8;
	[tilespmem:$0x18800] =	vst v63  }
0xf6: {  	_ =	swait.ge [sflag:s14], $0x4000  }
0xf7: {  	[sflag:s14] =	ssyncset.done $0x0  }
0xf8: {  	s23 =	rddreg [dreg:$0xc];
	[sflag:s14] =	ssyncadd.s32 $0xFFFFC000  }
0xf9: {  	[hbm4b:s23+s2] =	stream.linear.scatter [tilespmem:s5], [sflag:$0x9], $0x4000, $0x38;
	[tilespmem:$0x18800] =	vst v63  }
0xfa: {  	_ =	swait.ge [sflag:s4], $0x4000  }
0xfb: {  	[sflag:s4] =	ssyncset.done $0x0  }
0xfc: {  	s23 =	simm.s32 $0x600;
	[sflag:s4] =	ssyncadd.s32 $0xFFFFC000  }
0xfd: {  	[tilespmem:s11], [sflag:$0x1] =	stream.indirect.gather [hbm4b:s9+s12], $0x80, s23, s12, $0xb8;
	[tilespmem:$0x18800] =	vst v63  }
0xfe: {  	_ =	swait.ge [sflag:s13], $0x4000  }
0xff: {  	[sflag:s13] =	ssyncset.done $0x0  }
0x100: {  	s23 =	rddreg [dreg:$0xd];
	[sflag:s13] =	ssyncadd.s32 $0xFFFFC000  }
0x101: {  	[hbm4b:s23+s2] =	stream.linear.scatter [tilespmem:s3], [sflag:$0xA], $0x4000, $0x38;
	[tilespmem:$0x18800] =	vst v63  }
0x102: {  	_ =	swait.ge [sflag:s6], $0x4000  }
0x103: {  	[sflag:s6] =	ssyncset.done $0x0  }
0x104: {  	[sflag:s6] =	ssyncadd.s32 $0xFFFFC000  }
0x105: {  	[tilespmem:s10], [sflag:$0x2] =	stream.indirect.gather [hbm4b:s9+s12], $0x80, s29, s12, $0xb8;
	[tilespmem:$0x18800] =	vst v63  }
0x106: {  	_ =	swait.ge [sflag:s22], $0x4000  }
0x107: {  	[sflag:s22] =	ssyncset.done $0x0  }
0x108: {  	s23 =	rddreg [dreg:$0xe];
	[sflag:s22] =	ssyncadd.s32 $0xFFFFC000  }
0x109: {  	[hbm4b:s23+s2] =	stream.linear.scatter [tilespmem:s20], [sflag:$0xB], $0x4000, $0x38;
	[tilespmem:$0x18800] =	vst v63  }
0x10a: {  	_ =	swait.ge [sflag:s7], $0x4000  }
0x10b: {  	[sflag:s7] =	ssyncset.done $0x0  }
0x10c: {  	[sflag:s7] =	ssyncadd.s32 $0xFFFFC000  }
0x10d: {  	[tilespmem:s5], [sflag:$0x3] =	stream.indirect.gather [hbm4b:s9+s12], $0x80, s25, s12, $0xb8;
	[tilespmem:$0x18800] =	vst v63  }
0x10e: {  	_ =	swait.ge [sflag:s21], $0x4000  }
0x10f: {  	[sflag:s21] =	ssyncset.done $0x0  }
0x110: {  	s23 =	rddreg [dreg:$0xf];
	[sflag:s21] =	ssyncadd.s32 $0xFFFFC000  }
0x111: {  	[hbm4b:s23+s2] =	stream.linear.scatter [tilespmem:s19], [sflag:$0xC], $0x4000, $0x38;
	[tilespmem:$0x18800] =	vst v63  }
0x112: {  	_ =	swait.ge [sflag:s8], $0x4000  }
0x113: {  	[sflag:s8] =	ssyncset.done $0x0  }
0x114: {  	[sflag:s8] =	ssyncadd.s32 $0xFFFFC000  }
0x115: {  	[tilespmem:s3], [sflag:$0x4] =	stream.indirect.gather [hbm4b:s9+s12], $0x80, s24, s12, $0xb8;
	[tilespmem:$0x18800] =	vst v63  }
0x116: {  	_ =	swait.ge [sflag:s15], $0x4000  }
0x117: {  	[sflag:s15] =	ssyncset.done $0x0  }
0x118: {  	s23 =	rddreg [dreg:$0x10];
	[sflag:s15] =	ssyncadd.s32 $0xFFFFC000  }
0x119: {  	[hbm4b:s23+s2] =	stream.linear.scatter [tilespmem:s11], [sflag:$0x7], $0x4000, $0x38;
	[tilespmem:$0x18800] =	vst v63  }
0x11a: {  	_ =	swait.ge [sflag:s16], $0x4000  }
0x11b: {  	[sflag:s16] =	ssyncset.done $0x0  }
0x11c: {  	s23 =	rddreg [dreg:$0x11];
	[sflag:s16] =	ssyncadd.s32 $0xFFFFC000  }
0x11d: {  	[hbm4b:s23+s2] =	stream.linear.scatter [tilespmem:s10], [sflag:$0x8], $0x4000, $0x38;
	[tilespmem:$0x18800] =	vst v63  }
0x11e: {  	_ =	swait.ge [sflag:s14], $0x4000  }
0x11f: {  	[sflag:s14] =	ssyncset.done $0x0  }
0x120: {  	s23 =	rddreg [dreg:$0x12];
	[sflag:s14] =	ssyncadd.s32 $0xFFFFC000  }
0x121: {  	[hbm4b:s23+s2] =	stream.linear.scatter [tilespmem:s5], [sflag:$0x9], $0x4000, $0x38;
	[tilespmem:$0x18800] =	vst v63  }
0x122: {  	_ =	swait.ge [sflag:s13], $0x4000  }
0x123: {  	[sflag:s13] =	ssyncset.done $0x0  }
0x124: {  	s23 =	rddreg [dreg:$0x13];
	[sflag:s13] =	ssyncadd.s32 $0xFFFFC000  }
0x125: {  	[hbm4b:s23+s2] =	stream.linear.scatter [tilespmem:s3], [sflag:$0xA], $0x4000, $0x38;
	[tilespmem:$0x18800] =	vst v63  }
0x126: {  	_ =	swait.ge [sflag:s17], $0x4000  }
0x127: {  	[sflag:s17] =	ssyncset.done $0x0  }
0x128: {  	[sflag:s17] =	ssyncadd.s32 $0xFFFFC000  }
0x129: {  	_ =	swait.ge [sflag:s18], $0x4000  }
0x12a: {  	[sflag:s18] =	ssyncset.done $0x0  }
0x12b: {  	[sflag:s18] =	ssyncadd.s32 $0xFFFFC000  }
0x12c: {  	_ =	swait.ge [sflag:s4], $0x4000  }
0x12d: {  	[sflag:s4] =	ssyncset.done $0x0  }
0x12e: {  	[sflag:s4] =	ssyncadd.s32 $0xFFFFC000  }
0x12f: {  	_ =	swait.ge [sflag:s6], $0x4000  }
0x130: {  	[sflag:s6] =	ssyncset.done $0x0  }
0x131: {  	p1 =	sne.s32 s0, $0x1;
	[sflag:s6] =	ssyncadd.s32 $0xFFFFC000  }
.Ltmp2:
0x132: {  	_ =	swait.ge [sflag:s7], $0x4000;
	(pc) =	sbr.rel @p1 .LBB2_4-.Ltmp2, $4  }
0x133: {  	[sflag:s7] =	ssyncset.done $0x0  }
0x134: {  	[sflag:s7] =	ssyncadd.s32 $0xFFFFC000  }
0x135: {  	_ =	swait.ge [sflag:s8], $0x4000  }
0x136: {  	s0 =	sadd.s32 $0xFFFFFFFF, s0;
	s1 =	rddreg [dreg:$0x4];
	[sflag:s8] =	ssyncset.done $0x0  }
0x137: {  	s24 =	simm.s32 $0x580;
	s30 =	simm.s32 $0x600  }
0x138: {  	s29 =	simm.s32 $0x680;
	s25 =	simm.s32 $0x700;
	s23 =	rddreg [dreg:$0x3]  }
.LBB2_6:
0x139: {  	[sflag:s8] =	ssyncadd.s32 @p0 $0xFFFFC000  }
0x13a: {  	[tilespmem:s2], [sflag:$0xD] =	stream.strided.gather [hbm4b:s1+s12], $0x800, s28, s12, $0x38;
	[tilespmem:$0x18800] =	vst v63  }
0x13b: {  	_ =	swait.ge [sflag:s31], $0x800  }
0x13c: {  	[sflag:s31] =	ssyncset.done $0x0  }
0x13d: {  	[sflag:s31] =	ssyncadd.s32 $0xFFFFF800  }
0x13e: {  	[tilespmem:s11], [sflag:$0x1] =	stream.indirect.gather [hbm4b:s9+s12], $0x80, s2, s12, $0xb8;
	[tilespmem:$0x18800] =	vst v63  }
0x13f: {  	_ = 	snop  }
0x140: {  	[tilespmem:s10], [sflag:$0x2] =	stream.indirect.gather [hbm4b:s9+s12], $0x80, s12, s12, $0xb8;
	[tilespmem:$0x18800] =	vst v63  }
0x141: {  	s0 =	rddreg [dreg:$0x14]  }
0x142: {  	[tilespmem:s5], [sflag:$0x3] =	stream.indirect.gather [hbm4b:s9+s12], $0x80, s0, s12, $0xb8;
	[tilespmem:$0x18800] =	vst v63  }
0x143: {  	s31 =	rddreg [dreg:$0x15]  }
0x144: {  	[tilespmem:s3], [sflag:$0x4] =	stream.indirect.gather [hbm4b:s9+s12], $0x80, s31, s12, $0xb8;
	[tilespmem:$0x18800] =	vst v63  }
0x145: {  	_ =	swait.ge [sflag:s15], $0x4000  }
0x146: {  	[sflag:s15] =	ssyncset.done $0x0  }
0x147: {  	[sflag:s15] =	ssyncadd.s32 $0xFFFFC000  }
0x148: {  	[hbm4b:s26+s2] =	stream.linear.scatter [tilespmem:s11], [sflag:$0x7], $0x4000, $0x38;
	[tilespmem:$0x18800] =	vst v63  }
0x149: {  	s31 =	rddreg [dreg:$0x16]  }
0x14a: {  	[tilespmem:s20], [sflag:$0x5] =	stream.indirect.gather [hbm4b:s9+s12], $0x80, s31, s12, $0xb8;
	[tilespmem:$0x18800] =	vst v63  }
0x14b: {  	_ =	swait.ge [sflag:s16], $0x4000  }
0x14c: {  	[sflag:s16] =	ssyncset.done $0x0  }
0x14d: {  	s1 =	rddreg [dreg:$0x5];
	[sflag:s16] =	ssyncadd.s32 $0xFFFFC000  }
0x14e: {  	[hbm4b:s1+s2] =	stream.linear.scatter [tilespmem:s10], [sflag:$0x8], $0x4000, $0x38;
	[tilespmem:$0x18800] =	vst v63  }
0x14f: {  	s26 =	rddreg [dreg:$0x17]  }
0x150: {  	[tilespmem:s19], [sflag:$0x6] =	stream.indirect.gather [hbm4b:s9+s12], $0x80, s26, s12, $0xb8;
	[tilespmem:$0x18800] =	vst v63  }
0x151: {  	_ =	swait.ge [sflag:s14], $0x4000  }
0x152: {  	[sflag:s14] =	ssyncset.done $0x0  }
0x153: {  	s31 =	rddreg [dreg:$0x6];
	[sflag:s14] =	ssyncadd.s32 $0xFFFFC000  }
0x154: {  	[hbm4b:s31+s2] =	stream.linear.scatter [tilespmem:s5], [sflag:$0x9], $0x4000, $0x38;
	[tilespmem:$0x18800] =	vst v63  }
0x155: {  	_ =	swait.ge [sflag:s4], $0x4000  }
0x156: {  	[sflag:s4] =	ssyncset.done $0x0  }
0x157: {  	s1 =	rddreg [dreg:$0x18];
	[sflag:s4] =	ssyncadd.s32 $0xFFFFC000  }
0x158: {  	[tilespmem:s11], [sflag:$0x1] =	stream.indirect.gather [hbm4b:s9+s12], $0x80, s1, s12, $0xb8;
	[tilespmem:$0x18800] =	vst v63  }
0x159: {  	_ =	swait.ge [sflag:s13], $0x4000  }
0x15a: {  	[sflag:s13] =	ssyncset.done $0x0  }
0x15b: {  	s26 =	rddreg [dreg:$0x7];
	[sflag:s13] =	ssyncadd.s32 $0xFFFFC000  }
0x15c: {  	[hbm4b:s26+s2] =	stream.linear.scatter [tilespmem:s3], [sflag:$0xA], $0x4000, $0x38;
	[tilespmem:$0x18800] =	vst v63  }
0x15d: {  	_ =	swait.ge [sflag:s6], $0x4000  }
0x15e: {  	[sflag:s6] =	ssyncset.done $0x0  }
0x15f: {  	s31 =	rddreg [dreg:$0x19];
	[sflag:s6] =	ssyncadd.s32 $0xFFFFC000  }
0x160: {  	[tilespmem:s10], [sflag:$0x2] =	stream.indirect.gather [hbm4b:s9+s12], $0x80, s31, s12, $0xb8;
	[tilespmem:$0x18800] =	vst v63  }
0x161: {  	_ =	swait.ge [sflag:s22], $0x4000  }
0x162: {  	[sflag:s22] =	ssyncset.done $0x0  }
0x163: {  	s1 =	rddreg [dreg:$0x8];
	[sflag:s22] =	ssyncadd.s32 $0xFFFFC000  }
0x164: {  	[hbm4b:s1+s2] =	stream.linear.scatter [tilespmem:s20], [sflag:$0xB], $0x4000, $0x38;
	[tilespmem:$0x18800] =	vst v63  }
0x165: {  	_ =	swait.ge [sflag:s7], $0x4000  }
0x166: {  	[sflag:s7] =	ssyncset.done $0x0  }
0x167: {  	[sflag:s7] =	ssyncadd.s32 $0xFFFFC000  }
0x168: {  	[tilespmem:s5], [sflag:$0x3] =	stream.indirect.gather [hbm4b:s9+s12], $0x80, s28, s12, $0xb8;
	[tilespmem:$0x18800] =	vst v63  }
0x169: {  	_ =	swait.ge [sflag:s21], $0x4000  }
0x16a: {  	[sflag:s21] =	ssyncset.done $0x0  }
0x16b: {  	s26 =	rddreg [dreg:$0x9];
	[sflag:s21] =	ssyncadd.s32 $0xFFFFC000  }
0x16c: {  	[hbm4b:s26+s2] =	stream.linear.scatter [tilespmem:s19], [sflag:$0xC], $0x4000, $0x38;
	[tilespmem:$0x18800] =	vst v63  }
0x16d: {  	_ =	swait.ge [sflag:s8], $0x4000  }
0x16e: {  	[sflag:s8] =	ssyncset.done $0x0  }
0x16f: {  	s28 =	rddreg [dreg:$0x1a];
	[sflag:s8] =	ssyncadd.s32 $0xFFFFC000  }
0x170: {  	[tilespmem:s3], [sflag:$0x4] =	stream.indirect.gather [hbm4b:s9+s12], $0x80, s28, s12, $0xb8;
	[tilespmem:$0x18800] =	vst v63  }
0x171: {  	_ =	swait.ge [sflag:s15], $0x4000  }
0x172: {  	[sflag:s15] =	ssyncset.done $0x0  }
0x173: {  	s31 =	rddreg [dreg:$0xa];
	[sflag:s15] =	ssyncadd.s32 $0xFFFFC000  }
0x174: {  	[hbm4b:s31+s2] =	stream.linear.scatter [tilespmem:s11], [sflag:$0x7], $0x4000, $0x38;
	[tilespmem:$0x18800] =	vst v63  }
0x175: {  	_ =	swait.ge [sflag:s17], $0x4000  }
0x176: {  	[sflag:s17] =	ssyncset.done $0x0  }
0x177: {  	s1 =	rddreg [dreg:$0x1b];
	[sflag:s17] =	ssyncadd.s32 $0xFFFFC000  }
0x178: {  	[tilespmem:s20], [sflag:$0x5] =	stream.indirect.gather [hbm4b:s9+s12], $0x80, s1, s12, $0xb8;
	[tilespmem:$0x18800] =	vst v63  }
0x179: {  	_ =	swait.ge [sflag:s16], $0x4000  }
0x17a: {  	[sflag:s16] =	ssyncset.done $0x0  }
0x17b: {  	s26 =	rddreg [dreg:$0xb];
	[sflag:s16] =	ssyncadd.s32 $0xFFFFC000  }
0x17c: {  	[hbm4b:s26+s2] =	stream.linear.scatter [tilespmem:s10], [sflag:$0x8], $0x4000, $0x38;
	[tilespmem:$0x18800] =	vst v63  }
0x17d: {  	_ =	swait.ge [sflag:s18], $0x4000  }
0x17e: {  	[sflag:s18] =	ssyncset.done $0x0  }
0x17f: {  	[sflag:s18] =	ssyncadd.s32 $0xFFFFC000  }
0x180: {  	[tilespmem:s19], [sflag:$0x6] =	stream.indirect.gather [hbm4b:s9+s12], $0x80, s24, s12, $0xb8;
	[tilespmem:$0x18800] =	vst v63  }
0x181: {  	_ =	swait.ge [sflag:s14], $0x4000  }
0x182: {  	[sflag:s14] =	ssyncset.done $0x0  }
0x183: {  	s28 =	rddreg [dreg:$0xc];
	[sflag:s14] =	ssyncadd.s32 $0xFFFFC000  }
0x184: {  	[hbm4b:s28+s2] =	stream.linear.scatter [tilespmem:s5], [sflag:$0x9], $0x4000, $0x38;
	[tilespmem:$0x18800] =	vst v63  }
0x185: {  	_ =	swait.ge [sflag:s4], $0x4000  }
0x186: {  	[sflag:s4] =	ssyncset.done $0x0  }
0x187: {  	[sflag:s4] =	ssyncadd.s32 $0xFFFFC000  }
0x188: {  	[tilespmem:s11], [sflag:$0x1] =	stream.indirect.gather [hbm4b:s9+s12], $0x80, s30, s12, $0xb8;
	[tilespmem:$0x18800] =	vst v63  }
0x189: {  	_ =	swait.ge [sflag:s13], $0x4000  }
0x18a: {  	[sflag:s13] =	ssyncset.done $0x0  }
0x18b: {  	s31 =	rddreg [dreg:$0xd];
	[sflag:s13] =	ssyncadd.s32 $0xFFFFC000  }
0x18c: {  	[hbm4b:s31+s2] =	stream.linear.scatter [tilespmem:s3], [sflag:$0xA], $0x4000, $0x38;
	[tilespmem:$0x18800] =	vst v63  }
0x18d: {  	_ =	swait.ge [sflag:s6], $0x4000  }
0x18e: {  	[sflag:s6] =	ssyncset.done $0x0  }
0x18f: {  	[sflag:s6] =	ssyncadd.s32 $0xFFFFC000  }
0x190: {  	[tilespmem:s10], [sflag:$0x2] =	stream.indirect.gather [hbm4b:s9+s12], $0x80, s29, s12, $0xb8;
	[tilespmem:$0x18800] =	vst v63  }
0x191: {  	_ =	swait.ge [sflag:s22], $0x4000  }
0x192: {  	[sflag:s22] =	ssyncset.done $0x0  }
0x193: {  	s1 =	rddreg [dreg:$0xe];
	[sflag:s22] =	ssyncadd.s32 $0xFFFFC000  }
0x194: {  	[hbm4b:s1+s2] =	stream.linear.scatter [tilespmem:s20], [sflag:$0xB], $0x4000, $0x38;
	[tilespmem:$0x18800] =	vst v63  }
0x195: {  	_ =	swait.ge [sflag:s7], $0x4000  }
0x196: {  	[sflag:s7] =	ssyncset.done $0x0  }
0x197: {  	[sflag:s7] =	ssyncadd.s32 $0xFFFFC000  }
0x198: {  	[tilespmem:s5], [sflag:$0x3] =	stream.indirect.gather [hbm4b:s9+s12], $0x80, s25, s12, $0xb8;
	[tilespmem:$0x18800] =	vst v63  }
0x199: {  	_ =	swait.ge [sflag:s21], $0x4000  }
0x19a: {  	[sflag:s21] =	ssyncset.done $0x0  }
0x19b: {  	s24 =	rddreg [dreg:$0xf];
	[sflag:s21] =	ssyncadd.s32 $0xFFFFC000  }
0x19c: {  	[hbm4b:s24+s2] =	stream.linear.scatter [tilespmem:s19], [sflag:$0xC], $0x4000, $0x38;
	[tilespmem:$0x18800] =	vst v63  }
0x19d: {  	_ =	swait.ge [sflag:s8], $0x4000  }
0x19e: {  	[sflag:s8] =	ssyncset.done $0x0  }
0x19f: {  	s25 =	simm.s32 $0x780;
	[sflag:s8] =	ssyncadd.s32 $0xFFFFC000  }
0x1a0: {  	[tilespmem:s3], [sflag:$0x4] =	stream.indirect.gather [hbm4b:s9+s12], $0x80, s25, s12, $0xb8;
	[tilespmem:$0x18800] =	vst v63  }
0x1a1: {  	_ =	swait.ge [sflag:s15], $0x4000  }
0x1a2: {  	[sflag:s15] =	ssyncset.done $0x0  }
0x1a3: {  	s26 =	rddreg [dreg:$0x10];
	[sflag:s15] =	ssyncadd.s32 $0xFFFFC000  }
0x1a4: {  	[hbm4b:s26+s2] =	stream.linear.scatter [tilespmem:s11], [sflag:$0x7], $0x4000, $0x38;
	[tilespmem:$0x18800] =	vst v63  }
0x1a5: {  	_ =	swait.ge [sflag:s16], $0x4000  }
0x1a6: {  	[sflag:s16] =	ssyncset.done $0x0  }
0x1a7: {  	s28 =	rddreg [dreg:$0x11];
	[sflag:s16] =	ssyncadd.s32 $0xFFFFC000  }
0x1a8: {  	[hbm4b:s28+s2] =	stream.linear.scatter [tilespmem:s10], [sflag:$0x8], $0x4000, $0x38;
	[tilespmem:$0x18800] =	vst v63  }
0x1a9: {  	_ =	swait.ge [sflag:s14], $0x4000  }
0x1aa: {  	[sflag:s14] =	ssyncset.done $0x0  }
0x1ab: {  	s29 =	rddreg [dreg:$0x12];
	[sflag:s14] =	ssyncadd.s32 $0xFFFFC000  }
0x1ac: {  	[hbm4b:s29+s2] =	stream.linear.scatter [tilespmem:s5], [sflag:$0x9], $0x4000, $0x38;
	[tilespmem:$0x18800] =	vst v63  }
0x1ad: {  	_ =	swait.ge [sflag:s13], $0x4000  }
0x1ae: {  	[sflag:s13] =	ssyncset.done $0x0  }
0x1af: {  	s30 =	rddreg [dreg:$0x13];
	[sflag:s13] =	ssyncadd.s32 $0xFFFFC000  }
0x1b0: {  	[hbm4b:s30+s2] =	stream.linear.scatter [tilespmem:s3], [sflag:$0xA], $0x4000, $0x38;
	[tilespmem:$0x18800] =	vst v63  }
0x1b1: {  	_ =	swait.ge [sflag:s17], $0x4000  }
0x1b2: {  	[sflag:s17] =	ssyncset.done $0x0  }
0x1b3: {  	[sflag:s17] =	ssyncadd.s32 $0xFFFFC000  }
0x1b4: {  	_ =	swait.ge [sflag:s18], $0x4000  }
0x1b5: {  	[sflag:s18] =	ssyncset.done $0x0  }
0x1b6: {  	[sflag:s18] =	ssyncadd.s32 $0xFFFFC000  }
0x1b7: {  	_ =	swait.ge [sflag:s4], $0x4000  }
0x1b8: {  	[sflag:s4] =	ssyncset.done $0x0  }
0x1b9: {  	[sflag:s4] =	ssyncadd.s32 $0xFFFFC000  }
0x1ba: {  	_ =	swait.ge [sflag:s6], $0x4000  }
0x1bb: {  	[sflag:s6] =	ssyncset.done $0x0  }
0x1bc: {  	[sflag:s6] =	ssyncadd.s32 $0xFFFFC000  }
0x1bd: {  	_ =	swait.ge [sflag:s7], $0x4000  }
0x1be: {  	[sflag:s7] =	ssyncset.done $0x0  }
0x1bf: {  	[sflag:s7] =	ssyncadd.s32 $0xFFFFC000  }
0x1c0: {  	_ =	swait.ge [sflag:s8], $0x4000  }
0x1c1: {  	[sflag:s8] =	ssyncset.done $0x0  }
0x1c2: {  	[sflag:s8] =	ssyncadd.s32 $0xFFFFC000  }
0x1c3: {  	_ =	sfence.sel $0x180000  }
0x1c4: {  	s31 =	stileid.u32;
	[bflag:$0x0] =	sbarrier.arrive $0xFFFF  }
0x1c5: {  	p0 =	sne.s32 s31, $0x0;
	_ =	strace $0x90000047  }
0x1c6: {  	s0 =	sadd.s32 @!p0 $0x100000, s23;
	[bflag:$0x2] =	sbarrier.arrive $0xFFFF  }
0x1c7: {  	[sflag:s0] =	ssyncadd.tile.s32 @!p0 $0x1;
	_ =	shalt  }
.LBB2_1:
.Ltmp3:
0x1c8: {  	(pc) =	sbr.rel .LBB2_6-.Ltmp3, $3  }
0x1c9: {  	_ =	sdelay $0x1  }
0x1ca: {  	s24 =	simm.s32 $0x580  }
0x1cb: {  	s30 =	simm.s32 $0x600;
	s29 =	simm.s32 $0x680;
	s25 =	simm.s32 $0x700  }
.LBB2_3:
.Ltmp4:
0x1cc: {  	(pc) =	sbr.rel .LBB2_6-.Ltmp4, $3  }
0x1cd: {  	_ =	sdelay $0x1  }
0x1ce: {  	s24 =	simm.s32 $0x580;
	s30 =	simm.s32 $0x600  }
0x1cf: {  	s29 =	simm.s32 $0x680;
	s25 =	simm.s32 $0x700;
	s23 =	rddreg [dreg:$0x3]  }
.Lfunc_end2:
_tile_overlayer_lowered:
.L_overlay_start_2:
0x1d0: {  	(tag) =	ssettag $0x2  }
0x1d1: {  	s0 =	rddreg [dreg:$0x0];
	s2 =	stileid.u32  }
0x1d2: {  	s1 =	rddreg [dreg:$0x1];
	p0 =	sne.s32 s2, $0x0  }
0x1d3: {  	s3 =	rddreg [dreg:$0x2];
	[bflag:$0x3] =	sbarrier.arrive $0xFFFF;
	s2 =	simm.s32 @!p0 $0x1C0D  }
0x1d4: {  	[timem:s3], [sflag:s2] =	dma.local @!p0 [hbm:s0], s1  }
0x1d5: {  	s0 =	simm.s32 @!p0 $0xD  }
0x1d6: {  	_ =	swait.ge @!p0 [sflag:s0], s1  }
0x1d7: {  	s1 =	ssub.s32 @!p0 $0x0, s1;
	[sflag:s0] =	ssyncset.done @!p0 $0x0  }
0x1d8: {  	[sflag:s0] =	ssyncadd.s32 @!p0 s1  }
0x1d9: {  	[bflag:$0x3] =	sbarrier.arrive $0xFFFF  }
0x1da: {  	_ =	shalt  }

</sc_bundles>
